<compile_context>
chip_gen: v7x
topology: tpu7x:2x2x1
jax: 0.10.2.dev20260603
libtpu: 0.0.44.dev20260713+nightly
codegen_flags: <defaults>
</compile_context>

<pallas_src>
import functools

import jax
import jax.numpy as jnp
from jax import lax
from jax.experimental import pallas as pl
from jax.experimental.pallas import tpu as pltpu
from jax.experimental.pallas import tpu_sc as plsc

N = 10000
E = 320000
D = 128
G = 96
DW = 16
C = 80
NSUB = 16
PER_TILE = E // NSUB
N_CHUNKS = PER_TILE // C
N_HALF = N_CHUNKS // 2
ROWS_PER_TILE = N // NSUB
BLK = 1000

_SC_PARAMS = pltpu.CompilerParams(use_tc_tiling_on_sc=False)


def _pre_body(e_ref, b_ref, s_ref, wbt_ref, bb_ref, wst_ref, bs_ref, cat_ref):
    b = b_ref[...]
    bnorm = jnp.sqrt(jnp.sum(b * b, axis=-1, keepdims=True))
    safe = jnp.maximum(bnorm, 1e-10)
    arg = jnp.minimum(bnorm, 1.0 - 1e-5)
    atanh = 0.5 * jnp.log((1.0 + arg) / (1.0 - arg))
    bt = atanh * b / safe
    bt = jnp.dot(bt, wbt_ref[...], preferred_element_type=jnp.float32) + bb_ref[...]
    s = s_ref[...]
    snorm = jnp.sqrt(jnp.sum(s * s, axis=-1, keepdims=True))
    sn = s / jnp.maximum(snorm, 1e-12)
    st = jnp.dot(sn, wst_ref[...], preferred_element_type=jnp.float32) + bs_ref[...]
    e = e_ref[...]
    cat_ref[0] = e[:, :G]
    cat_ref[1] = jnp.concatenate([e[:, G:], bt[:, : 2 * G - D]], axis=1)
    cat_ref[2] = jnp.concatenate([bt[:, 2 * G - D :], st[:, : 3 * G - 2 * D]], axis=1)
    cat_ref[3] = st[:, 3 * G - 2 * D :]


def _pre(e_emb, b_emb, s_emb, wbt, bb, wst, bs):
    grid = N // BLK
    return pl.pallas_call(
        _pre_body,
        grid=(grid,),
        in_specs=[
            pl.BlockSpec((BLK, D), lambda i: (i, 0)),
            pl.BlockSpec((BLK, D), lambda i: (i, 0)),
            pl.BlockSpec((BLK, D), lambda i: (i, 0)),
            pl.BlockSpec((D, D), lambda i: (0, 0)),
            pl.BlockSpec((1, D), lambda i: (0, 0)),
            pl.BlockSpec((D, D), lambda i: (0, 0)),
            pl.BlockSpec((1, D), lambda i: (0, 0)),
        ],
        out_specs=pl.BlockSpec((4, BLK, G), lambda i: (0, i, 0)),
        out_shape=jax.ShapeDtypeStruct((4, N, G), jnp.float32),
    )(e_emb, b_emb, s_emb, wbt, bb, wst, bs)


def _agg(cat4, srcp, dstp, zf, zd, ones):
    mesh = plsc.VectorSubcoreMesh(core_axis_name="c", subcore_axis_name="s")

    @functools.partial(
        pl.kernel,
        out_type=[
            jax.ShapeDtypeStruct((4, N, G), jnp.float32),
            jax.ShapeDtypeStruct((N, DW), jnp.float32),
        ],
        mesh=mesh,
        scratch_types=[
            pltpu.VMEM((N_CHUNKS, C), jnp.int32),
            pltpu.VMEM((N_CHUNKS, C), jnp.int32),
            pltpu.VMEM((C, G), jnp.float32),
            pltpu.VMEM((C, G), jnp.float32),
            pltpu.VMEM((C, DW), jnp.float32),
            pltpu.VMEM_SHARED((N, G), jnp.float32),
            pltpu.VMEM_SHARED((N, DW), jnp.float32),
            pltpu.SemaphoreType.DMA,
            pltpu.SemaphoreType.DMA,
            pltpu.SemaphoreType.DMA,
        ],
        compiler_params=_SC_PARAMS,
    )
    def agg(cat_hbm, srcp_hbm, dstp_hbm, zf_hbm, zd_hbm, ones_hbm,
            summ_hbm, deg_hbm,
            src_a, dst_a, buf0, buf1, ones_v, acc_sh, deg_sh, sem0, sem1, osem):
        c = lax.axis_index("c")
        s = lax.axis_index("s")
        r0 = s * ROWS_PER_TILE

        for g in range(2):
            grp = 2 * c + g
            pltpu.sync_copy(zf_hbm.at[pl.ds(r0, ROWS_PER_TILE)],
                            acc_sh.at[pl.ds(r0, ROWS_PER_TILE)])
            if g == 0:
                pltpu.sync_copy(dstp_hbm.at[s], dst_a)
                pltpu.sync_copy(ones_hbm, ones_v)

                @pl.when(c == 0)
                def _():
                    pltpu.sync_copy(zd_hbm.at[pl.ds(r0, ROWS_PER_TILE)],
                                    deg_sh.at[pl.ds(r0, ROWS_PER_TILE)])

            pltpu.sync_copy(srcp_hbm.at[grp, s], src_a)
            plsc.subcore_barrier()

            count_deg = g == 0
            pltpu.async_copy(cat_hbm.at[src_a.at[0]], buf0, sem0)

            def body(k, _):
                i0 = 2 * k
                pltpu.async_copy(cat_hbm.at[src_a.at[i0 + 1]], buf1, sem1)
                pltpu.make_async_copy(cat_hbm.at[src_a.at[i0]], buf0, sem0).wait()
                pltpu.sync_copy(buf0, acc_sh.at[dst_a.at[i0]], add=True)
                if count_deg:
                    @pl.when((c == 0) & (k > 0))
                    def _():
                        pltpu.make_async_copy(ones_v, deg_sh.at[dst_a.at[i0]],
                                              osem).wait()

                    @pl.when(c == 0)
                    def _():
                        pltpu.async_copy(ones_v, deg_sh.at[dst_a.at[i0]],
                                         osem, add=True)

                @pl.when(k < N_HALF - 1)
                def _():
                    pltpu.async_copy(cat_hbm.at[src_a.at[i0 + 2]], buf0, sem0)

                pltpu.make_async_copy(cat_hbm.at[src_a.at[i0 + 1]], buf1, sem1).wait()
                pltpu.sync_copy(buf1, acc_sh.at[dst_a.at[i0 + 1]], add=True)
                if count_deg:
                    @pl.when(c == 0)
                    def _():
                        pltpu.make_async_copy(ones_v, deg_sh.at[dst_a.at[i0]],
                                              osem).wait()
                        pltpu.async_copy(ones_v, deg_sh.at[dst_a.at[i0 + 1]],
                                         osem, add=True)

                return ()

            lax.fori_loop(0, N_HALF, body, ())
            if count_deg:
                @pl.when(c == 0)
                def _():
                    pltpu.make_async_copy(ones_v, deg_sh.at[dst_a.at[0]],
                                          osem).wait()

            plsc.subcore_barrier()

            pltpu.sync_copy(acc_sh.at[pl.ds(r0, ROWS_PER_TILE)],
                            summ_hbm.at[grp, pl.ds(r0, ROWS_PER_TILE)])
            if g == 0:
                @pl.when(c == 0)
                def _():
                    pltpu.sync_copy(deg_sh.at[pl.ds(r0, ROWS_PER_TILE)],
                                    deg_hbm.at[pl.ds(r0, ROWS_PER_TILE)])

            plsc.subcore_barrier()

    cat_flat = cat4.reshape(4 * N, G)
    return agg(cat_flat, srcp, dstp, zf, zd, ones)


def _post_body(summ_ref, deg_ref, wet_ref, be_ref, e_ref, b_ref, s_ref):
    d = jnp.maximum(deg_ref[...][:, 0:1], 1.0)
    t0 = summ_ref[0]
    t1 = summ_ref[1]
    t2 = summ_ref[2]
    t3 = summ_ref[3]
    agg_e = jnp.concatenate([t0, t1[:, : D - G]], axis=1) / d
    e = jnp.dot(agg_e, wet_ref[...], preferred_element_type=jnp.float32) + be_ref[...]
    e_ref[...] = jnp.where(e >= 0, e, 0.2 * e)
    agg_b = jnp.concatenate([t1[:, D - G :], t2[:, : 2 * D - 2 * G]], axis=1) / d
    bnorm = jnp.sqrt(jnp.sum(agg_b * agg_b, axis=-1, keepdims=True))
    bsafe = jnp.maximum(bnorm, 1e-10)
    b_ref[...] = jnp.tanh(bnorm) * agg_b / bsafe
    agg_s = jnp.concatenate([t2[:, 2 * D - 2 * G :], t3], axis=1) / d
    snorm = jnp.sqrt(jnp.sum(agg_s * agg_s, axis=-1, keepdims=True))
    s_ref[...] = agg_s / jnp.maximum(snorm, 1e-12)


def _post(summ, deg, wet, be):
    grid = N // BLK
    return pl.pallas_call(
        _post_body,
        grid=(grid,),
        in_specs=[
            pl.BlockSpec((4, BLK, G), lambda i: (0, i, 0)),
            pl.BlockSpec((BLK, DW), lambda i: (i, 0)),
            pl.BlockSpec((D, D), lambda i: (0, 0)),
            pl.BlockSpec((1, D), lambda i: (0, 0)),
        ],
        out_specs=[
            pl.BlockSpec((BLK, D), lambda i: (i, 0)),
            pl.BlockSpec((BLK, D), lambda i: (i, 0)),
            pl.BlockSpec((BLK, D), lambda i: (i, 0)),
        ],
        out_shape=[
            jax.ShapeDtypeStruct((N, D), jnp.float32),
            jax.ShapeDtypeStruct((N, D), jnp.float32),
            jax.ShapeDtypeStruct((N, D), jnp.float32),
        ],
    )(summ, deg, wet, be)


def kernel(e_emb, b_emb, s_emb, edge_index, W_e, b_e, W_b, b_b, W_s, b_s):
    src = edge_index[0]
    dst = edge_index[1]
    srcp = jnp.stack([src, src + N, src + 2 * N, src + 3 * N])
    srcp = srcp.reshape(4, NSUB, N_CHUNKS, C)
    dstp = dst.reshape(NSUB, N_CHUNKS, C)
    zf = jnp.zeros((N, G), jnp.float32)
    zd = jnp.zeros((N, DW), jnp.float32)
    ones = jnp.ones((C, DW), jnp.float32)

    cat4 = _pre(e_emb, b_emb, s_emb,
                W_b.T, b_b.reshape(1, D), W_s.T, b_s.reshape(1, D))
    summ, deg = _agg(cat4, srcp, dstp, zf, zd, ones)
    e_out, b_out, s_out = _post(summ, deg, W_e.T, b_e.reshape(1, D))
    return (e_out, b_out, s_out)

# --- scband reference (transcript-rebuilt; emitter-appended) ---
"""Pipeline reference for scband-product-space-layer-9019431321774 (READ-ONLY COPY).

The authoritative reference and input builder live on the scoring server;
editing this copy changes nothing except your own understanding.
"""

import jax, jax.numpy as jnp
import numpy as np

N = 10000
E = 320000
D = 128


def _linear_params(key, d_in, d_out):
    k1, k2 = jax.random.split(key)
    bound = 1.0 / np.sqrt(d_in)
    W = jax.random.uniform(k1, (d_out, d_in), minval=-bound, maxval=bound, dtype=jnp.float32)
    b = jax.random.uniform(k2, (d_out,), minval=-bound, maxval=bound, dtype=jnp.float32)
    return W, b


def setup_inputs(seed: int = 0):
    key = jax.random.key(seed)
    ks = jax.random.split(key, 7)
    e_emb = jax.random.normal(ks[0], (N, D), dtype=jnp.float32)
    # b_emb must lie inside the Poincare ball (norm < 1): scale uniform fill down
    b_emb = jax.random.uniform(ks[1], (N, D), dtype=jnp.float32) * 0.05
    s_emb = jax.random.normal(ks[2], (N, D), dtype=jnp.float32)
    edge_index = jax.random.randint(ks[3], (2, E), 0, N, dtype=jnp.int32)
    W_e, b_e = _linear_params(ks[4], D, D)
    W_b, b_b = _linear_params(ks[5], D, D)
    W_s, b_s = _linear_params(ks[6], D, D)
    return {"e_emb": e_emb, "b_emb": b_emb, "s_emb": s_emb, "edge_index": edge_index,
            "W_e": W_e, "b_e": b_e, "W_b": W_b, "b_b": b_b, "W_s": W_s, "b_s": b_s}


def _mean_agg(feat, src, dst, n):
    # DGL update_all(copy_u, mean): mean of src features over incoming edges per dst node
    msg_sum = jax.ops.segment_sum(feat[src], dst, num_segments=n)
    deg = jax.ops.segment_sum(jnp.ones((src.shape[0],), feat.dtype), dst, num_segments=n)
    return msg_sum / jnp.maximum(deg, 1.0)[:, None]


def _leaky_relu(x, slope=0.2):
    return jnp.where(x >= 0, x, slope * x)


def _logmap0(x):
    # Poincare ball (c=1) log map at origin: artanh(||x||) * x / ||x||
    norm = jnp.linalg.norm(x, axis=-1, keepdims=True)
    safe = jnp.maximum(norm, 1e-10)
    arg = jnp.minimum(norm, 1.0 - 1e-5)
    return jnp.arctanh(arg) * x / safe


def _expmap0(v):
    # Poincare ball (c=1) exp map at origin: tanh(||v||) * v / ||v||
    norm = jnp.linalg.norm(v, axis=-1, keepdims=True)
    safe = jnp.maximum(norm, 1e-10)
    return jnp.tanh(norm) * v / safe


def _normalize(x, eps=1e-12):
    norm = jnp.linalg.norm(x, axis=1, keepdims=True)
    return x / jnp.maximum(norm, eps)


def reference(e_emb, b_emb, s_emb, edge_index, W_e, b_e, W_b, b_b, W_s, b_s):
    n = e_emb.shape[0]
    src = edge_index[0]
    dst = edge_index[1]
    # Euclidean branch: aggregate then linear + LeakyReLU(0.2)
    e_neigh = _mean_agg(e_emb, src, dst, n)
    e_out = _leaky_relu(e_neigh @ W_e.T + b_e)
    # Hyperbolic (Poincare) branch: logmap -> linear -> aggregate -> expmap
    b_tangent = _logmap0(b_emb)
    b_transformed = b_tangent @ W_b.T + b_b
    b_neigh = _mean_agg(b_transformed, src, dst, n)
    b_out = _expmap0(b_neigh)
    # Spherical branch: normalize -> linear -> aggregate -> normalize
    s_n = _normalize(s_emb)
    s_transformed = s_n @ W_s.T + b_s
    s_neigh = _mean_agg(s_transformed, src, dst, n)
    s_out = _normalize(s_neigh)
    return (e_out, b_out, s_out)

if __name__ == "__main__":
    import jax
    _d = setup_inputs()
    print(jax.jit(kernel)(*tuple(_d.values())))

</pallas_src>

<mosaic_0001>
#map = affine_map<(d0, d1) -> (0, 0)>
#map1 = affine_map<(d0, d1) -> (0, 0, 0, 0)>
#map2 = affine_map<(d0, d1) -> (0, 0, 0)>
module attributes {stable_mosaic.version = 14 : i64} {
  func.func @agg(%arg0: i32, %arg1: i32, %arg2: memref<40000x96xf32, #tpu.memory_space<hbm>>, %arg3: memref<4x16x250x80xi32, #tpu.memory_space<hbm>>, %arg4: memref<16x250x80xi32, #tpu.memory_space<hbm>>, %arg5: memref<10000x96xf32, #tpu.memory_space<hbm>>, %arg6: memref<10000x16xf32, #tpu.memory_space<hbm>>, %arg7: memref<80x16xf32, #tpu.memory_space<hbm>>, %arg8: memref<4x10000x96xf32, #tpu.memory_space<hbm>>, %arg9: memref<10000x16xf32, #tpu.memory_space<hbm>>, %arg10: memref<250x80xi32, #tpu.memory_space<vmem>>, %arg11: memref<250x80xi32, #tpu.memory_space<vmem>>, %arg12: memref<80x96xf32, #tpu.memory_space<vmem>>, %arg13: memref<80x96xf32, #tpu.memory_space<vmem>>, %arg14: memref<80x16xf32, #tpu.memory_space<vmem>>, %arg15: memref<10000x96xf32, #tpu.memory_space<vmem_shared>>, %arg16: memref<10000x16xf32, #tpu.memory_space<vmem_shared>>, %arg17: memref<!tpu.dma_semaphore, #tpu.memory_space<semaphore_mem>>, %arg18: memref<!tpu.dma_semaphore, #tpu.memory_space<semaphore_mem>>, %arg19: memref<!tpu.dma_semaphore, #tpu.memory_space<semaphore_mem>>) attributes {dimension_semantics = [#tpu.dimension_semantics<core_parallel>, #tpu.dimension_semantics<subcore_parallel>], iteration_bounds = array<i64: 2, 16>, scalar_prefetch = 0 : i64, scratch_operands = 10 : i64, tpu.core_type = #tpu.core_type<sc_vector_subcore>, window_params = [{transform_indices = #map}, {transform_indices = #map1}, {transform_indices = #map2}, {transform_indices = #map}, {transform_indices = #map}, {transform_indices = #map}, {transform_indices = #map2}, {transform_indices = #map}]} {
    %mul3A = arith.constant 625 : i32
    %mul3A_0 = arith.muli %arg1, %mul3A : i32
    %mul3A_1 = arith.constant 2 : i32
    %mul3A_2 = arith.muli %mul3A_1, %arg0 : i32
    %add3A = arith.constant 0 : i32
    %add3A_3 = arith.addi %mul3A_2, %add3A : i32
    "tpu.region"() ({
      %run_scoped3A = tpu.sem_alloc : memref<!tpu.dma_semaphore, #tpu.memory_space<semaphore_mem>>
      %dma_start3A_47 = arith.constant 0 : i32
      %dma_start3A_48 = tpu.memref_slice %arg15[%mul3A_0, %dma_start3A_47] : memref<10000x96xf32, #tpu.memory_space<vmem_shared>> -> memref<625x96xf32, #tpu.memory_space<vmem_shared>>
      %dma_start3A_49 = arith.constant 0 : i32
      %dma_start3A_50 = tpu.memref_slice %arg5[%mul3A_0, %dma_start3A_49] : memref<10000x96xf32, #tpu.memory_space<hbm>> -> memref<625x96xf32, #tpu.memory_space<hbm>>
      tpu.enqueue_dma source(%dma_start3A_50 : memref<625x96xf32, #tpu.memory_space<hbm>>) target(%dma_start3A_48 : memref<625x96xf32, #tpu.memory_space<vmem_shared>>) target_semaphore(%run_scoped3A : memref<!tpu.dma_semaphore, #tpu.memory_space<semaphore_mem>>)
      %dma_wait3A = arith.constant 0 : i32
      %dma_wait3A_51 = tpu.memref_slice %arg15[%mul3A_0, %dma_wait3A] : memref<10000x96xf32, #tpu.memory_space<vmem_shared>> -> memref<625x96xf32, #tpu.memory_space<vmem_shared>>
      %dma_wait3A_52 = arith.constant 0 : i32
      %dma_wait3A_53 = tpu.memref_slice %arg5[%mul3A_0, %dma_wait3A_52] : memref<10000x96xf32, #tpu.memory_space<hbm>> -> memref<625x96xf32, #tpu.memory_space<hbm>>
      tpu.wait_dma2 semaphore(%run_scoped3A : memref<!tpu.dma_semaphore, #tpu.memory_space<semaphore_mem>>) src(%dma_wait3A_53 : memref<625x96xf32, #tpu.memory_space<hbm>>) dst(%dma_wait3A_51 : memref<625x96xf32, #tpu.memory_space<vmem_shared>>)
      tpu.yield
    }) : () -> ()
    "tpu.region"() ({
      %run_scoped3A = tpu.sem_alloc : memref<!tpu.dma_semaphore, #tpu.memory_space<semaphore_mem>>
      %dma_start3A_47 = arith.constant 0 : i32
      %dma_start3A_48 = arith.constant 0 : i32
      %dma_start3A_49 = tpu.memref_slice %arg4[%arg1, %dma_start3A_47, %dma_start3A_48] : memref<16x250x80xi32, #tpu.memory_space<hbm>> -> memref<1x250x80xi32, #tpu.memory_space<hbm>>
      %dma_start3A_50 = tpu.memref_squeeze %dma_start3A_49 : memref<1x250x80xi32, #tpu.memory_space<hbm>> -> memref<250x80xi32, #tpu.memory_space<hbm>>
      %dma_start3A_51 = arith.constant 0 : i32
      %dma_start3A_52 = arith.constant 0 : i32
      %dma_start3A_53 = tpu.memref_slice %arg4[%arg1, %dma_start3A_51, %dma_start3A_52] : memref<16x250x80xi32, #tpu.memory_space<hbm>> -> memref<1x250x80xi32, #tpu.memory_space<hbm>>
      %dma_start3A_54 = tpu.memref_squeeze %dma_start3A_53 : memref<1x250x80xi32, #tpu.memory_space<hbm>> -> memref<250x80xi32, #tpu.memory_space<hbm>>
      tpu.enqueue_dma source(%dma_start3A_54 : memref<250x80xi32, #tpu.memory_space<hbm>>) target(%arg11 : memref<250x80xi32, #tpu.memory_space<vmem>>) target_semaphore(%run_scoped3A : memref<!tpu.dma_semaphore, #tpu.memory_space<semaphore_mem>>)
      %dma_wait3A = arith.constant 0 : i32
      %dma_wait3A_55 = arith.constant 0 : i32
      %dma_wait3A_56 = tpu.memref_slice %arg4[%arg1, %dma_wait3A, %dma_wait3A_55] : memref<16x250x80xi32, #tpu.memory_space<hbm>> -> memref<1x250x80xi32, #tpu.memory_space<hbm>>
      %dma_wait3A_57 = tpu.memref_squeeze %dma_wait3A_56 : memref<1x250x80xi32, #tpu.memory_space<hbm>> -> memref<250x80xi32, #tpu.memory_space<hbm>>
      %dma_wait3A_58 = arith.constant 0 : i32
      %dma_wait3A_59 = arith.constant 0 : i32
      %dma_wait3A_60 = tpu.memref_slice %arg4[%arg1, %dma_wait3A_58, %dma_wait3A_59] : memref<16x250x80xi32, #tpu.memory_space<hbm>> -> memref<1x250x80xi32, #tpu.memory_space<hbm>>
      %dma_wait3A_61 = tpu.memref_squeeze %dma_wait3A_60 : memref<1x250x80xi32, #tpu.memory_space<hbm>> -> memref<250x80xi32, #tpu.memory_space<hbm>>
      tpu.wait_dma2 semaphore(%run_scoped3A : memref<!tpu.dma_semaphore, #tpu.memory_space<semaphore_mem>>) src(%dma_wait3A_61 : memref<250x80xi32, #tpu.memory_space<hbm>>) dst(%arg11 : memref<250x80xi32, #tpu.memory_space<vmem>>)
      tpu.yield
    }) : () -> ()
    "tpu.region"() ({
      %run_scoped3A = tpu.sem_alloc : memref<!tpu.dma_semaphore, #tpu.memory_space<semaphore_mem>>
      tpu.enqueue_dma source(%arg7 : memref<80x16xf32, #tpu.memory_space<hbm>>) target(%arg14 : memref<80x16xf32, #tpu.memory_space<vmem>>) target_semaphore(%run_scoped3A : memref<!tpu.dma_semaphore, #tpu.memory_space<semaphore_mem>>)
      tpu.wait_dma2 semaphore(%run_scoped3A : memref<!tpu.dma_semaphore, #tpu.memory_space<semaphore_mem>>) src(%arg7 : memref<80x16xf32, #tpu.memory_space<hbm>>) dst(%arg14 : memref<80x16xf32, #tpu.memory_space<vmem>>)
      tpu.yield
    }) : () -> ()
    %eq3A = arith.constant 0 : i32
    %eq3A_4 = arith.cmpi eq, %arg0, %eq3A : i32
    %convert_element_type3A = arith.extui %eq3A_4 : i1 to i32
    %cond3A = arith.constant 0 : i32
    %cond3A_5 = arith.cmpi ne, %convert_element_type3A, %cond3A : i32
    scf.if %cond3A_5 {
      "tpu.region"() ({
        %run_scoped3A = tpu.sem_alloc : memref<!tpu.dma_semaphore, #tpu.memory_space<semaphore_mem>>
        %dma_start3A_47 = arith.constant 0 : i32
        %dma_start3A_48 = tpu.memref_slice %arg16[%mul3A_0, %dma_start3A_47] : memref<10000x16xf32, #tpu.memory_space<vmem_shared>> -> memref<625x16xf32, #tpu.memory_space<vmem_shared>>
        %dma_start3A_49 = arith.constant 0 : i32
        %dma_start3A_50 = tpu.memref_slice %arg6[%mul3A_0, %dma_start3A_49] : memref<10000x16xf32, #tpu.memory_space<hbm>> -> memref<625x16xf32, #tpu.memory_space<hbm>>
        tpu.enqueue_dma source(%dma_start3A_50 : memref<625x16xf32, #tpu.memory_space<hbm>>) target(%dma_start3A_48 : memref<625x16xf32, #tpu.memory_space<vmem_shared>>) target_semaphore(%run_scoped3A : memref<!tpu.dma_semaphore, #tpu.memory_space<semaphore_mem>>)
        %dma_wait3A = arith.constant 0 : i32
        %dma_wait3A_51 = tpu.memref_slice %arg16[%mul3A_0, %dma_wait3A] : memref<10000x16xf32, #tpu.memory_space<vmem_shared>> -> memref<625x16xf32, #tpu.memory_space<vmem_shared>>
        %dma_wait3A_52 = arith.constant 0 : i32
        %dma_wait3A_53 = tpu.memref_slice %arg6[%mul3A_0, %dma_wait3A_52] : memref<10000x16xf32, #tpu.memory_space<hbm>> -> memref<625x16xf32, #tpu.memory_space<hbm>>
        tpu.wait_dma2 semaphore(%run_scoped3A : memref<!tpu.dma_semaphore, #tpu.memory_space<semaphore_mem>>) src(%dma_wait3A_53 : memref<625x16xf32, #tpu.memory_space<hbm>>) dst(%dma_wait3A_51 : memref<625x16xf32, #tpu.memory_space<vmem_shared>>)
        tpu.yield
      }) : () -> ()
    } else {
    }
    "tpu.region"() ({
      %run_scoped3A = tpu.sem_alloc : memref<!tpu.dma_semaphore, #tpu.memory_space<semaphore_mem>>
      %dma_start3A_47 = arith.constant 0 : i32
      %dma_start3A_48 = arith.constant 0 : i32
      %dma_start3A_49 = tpu.memref_slice %arg3[%add3A_3, %arg1, %dma_start3A_47, %dma_start3A_48] : memref<4x16x250x80xi32, #tpu.memory_space<hbm>> -> memref<1x1x250x80xi32, #tpu.memory_space<hbm>>
      %dma_start3A_50 = tpu.memref_squeeze %dma_start3A_49 : memref<1x1x250x80xi32, #tpu.memory_space<hbm>> -> memref<250x80xi32, #tpu.memory_space<hbm>>
      %dma_start3A_51 = arith.constant 0 : i32
      %dma_start3A_52 = arith.constant 0 : i32
      %dma_start3A_53 = tpu.memref_slice %arg3[%add3A_3, %arg1, %dma_start3A_51, %dma_start3A_52] : memref<4x16x250x80xi32, #tpu.memory_space<hbm>> -> memref<1x1x250x80xi32, #tpu.memory_space<hbm>>
      %dma_start3A_54 = tpu.memref_squeeze %dma_start3A_53 : memref<1x1x250x80xi32, #tpu.memory_space<hbm>> -> memref<250x80xi32, #tpu.memory_space<hbm>>
      tpu.enqueue_dma source(%dma_start3A_54 : memref<250x80xi32, #tpu.memory_space<hbm>>) target(%arg10 : memref<250x80xi32, #tpu.memory_space<vmem>>) target_semaphore(%run_scoped3A : memref<!tpu.dma_semaphore, #tpu.memory_space<semaphore_mem>>)
      %dma_wait3A = arith.constant 0 : i32
      %dma_wait3A_55 = arith.constant 0 : i32
      %dma_wait3A_56 = tpu.memref_slice %arg3[%add3A_3, %arg1, %dma_wait3A, %dma_wait3A_55] : memref<4x16x250x80xi32, #tpu.memory_space<hbm>> -> memref<1x1x250x80xi32, #tpu.memory_space<hbm>>
      %dma_wait3A_57 = tpu.memref_squeeze %dma_wait3A_56 : memref<1x1x250x80xi32, #tpu.memory_space<hbm>> -> memref<250x80xi32, #tpu.memory_space<hbm>>
      %dma_wait3A_58 = arith.constant 0 : i32
      %dma_wait3A_59 = arith.constant 0 : i32
      %dma_wait3A_60 = tpu.memref_slice %arg3[%add3A_3, %arg1, %dma_wait3A_58, %dma_wait3A_59] : memref<4x16x250x80xi32, #tpu.memory_space<hbm>> -> memref<1x1x250x80xi32, #tpu.memory_space<hbm>>
      %dma_wait3A_61 = tpu.memref_squeeze %dma_wait3A_60 : memref<1x1x250x80xi32, #tpu.memory_space<hbm>> -> memref<250x80xi32, #tpu.memory_space<hbm>>
      tpu.wait_dma2 semaphore(%run_scoped3A : memref<!tpu.dma_semaphore, #tpu.memory_space<semaphore_mem>>) src(%dma_wait3A_61 : memref<250x80xi32, #tpu.memory_space<hbm>>) dst(%arg10 : memref<250x80xi32, #tpu.memory_space<vmem>>)
      tpu.yield
    }) : () -> ()
    %barrier3A = arith.constant 0 : index
    tpu.barrier barrier_id(%barrier3A)
    %dma_start3A = arith.constant 0 : i32
    %dma_start3A_6 = arith.constant 0 : i32
    %dma_start3A_7 = tpu.memref_slice %arg10[%dma_start3A, %dma_start3A_6] : memref<250x80xi32, #tpu.memory_space<vmem>> -> memref<1x80xi32, #tpu.memory_space<vmem>>
    %dma_start3A_8 = tpu.memref_squeeze %dma_start3A_7 : memref<1x80xi32, #tpu.memory_space<vmem>> -> memref<80xi32, #tpu.memory_space<vmem>>
    %dma_start3A_9 = arith.constant 0 : i32
    %dma_start3A_10 = arith.constant 0 : i32
    %dma_start3A_11 = tpu.memref_slice %arg2[%dma_start3A_9, %dma_start3A_10] : memref<40000x96xf32, #tpu.memory_space<hbm>> -> memref<40000x96xf32, #tpu.memory_space<hbm>>
    tpu.enqueue_indirect_dma source(%dma_start3A_11 : memref<40000x96xf32, #tpu.memory_space<hbm>>) target(%arg12 : memref<80x96xf32, #tpu.memory_space<vmem>>) offsets(%dma_start3A_8 : memref<80xi32, #tpu.memory_space<vmem>>) semaphore(%arg17 : memref<!tpu.dma_semaphore, #tpu.memory_space<semaphore_mem>>)
    %scan3A = arith.constant 0 : i32
    %scan3A_12 = arith.constant 125 : i32
    %scan3A_13 = arith.addi %scan3A, %scan3A_12 : i32
    %scan3A_14 = arith.constant 1 : i32
    scf.for %scan3A_47 = %scan3A to %scan3A_13 step %scan3A_14  : i32 {
      %mul3A_48 = arith.constant 2 : i32
      %mul3A_49 = arith.muli %mul3A_48, %scan3A_47 : i32
      %add3A_50 = arith.constant 1 : i32
      %add3A_51 = arith.addi %mul3A_49, %add3A_50 : i32
      %dma_start3A_52 = arith.constant 0 : i32
      %dma_start3A_53 = tpu.memref_slice %arg10[%add3A_51, %dma_start3A_52] : memref<250x80xi32, #tpu.memory_space<vmem>> -> memref<1x80xi32, #tpu.memory_space<vmem>>
      %dma_start3A_54 = tpu.memref_squeeze %dma_start3A_53 : memref<1x80xi32, #tpu.memory_space<vmem>> -> memref<80xi32, #tpu.memory_space<vmem>>
      %dma_start3A_55 = arith.constant 0 : i32
      %dma_start3A_56 = arith.constant 0 : i32
      %dma_start3A_57 = tpu.memref_slice %arg2[%dma_start3A_55, %dma_start3A_56] : memref<40000x96xf32, #tpu.memory_space<hbm>> -> memref<40000x96xf32, #tpu.memory_space<hbm>>
      tpu.enqueue_indirect_dma source(%dma_start3A_57 : memref<40000x96xf32, #tpu.memory_space<hbm>>) target(%arg13 : memref<80x96xf32, #tpu.memory_space<vmem>>) offsets(%dma_start3A_54 : memref<80xi32, #tpu.memory_space<vmem>>) semaphore(%arg18 : memref<!tpu.dma_semaphore, #tpu.memory_space<semaphore_mem>>)
      %dma_wait3A = arith.constant 0 : i32
      %dma_wait3A_58 = tpu.memref_slice %arg10[%mul3A_49, %dma_wait3A] : memref<250x80xi32, #tpu.memory_space<vmem>> -> memref<1x80xi32, #tpu.memory_space<vmem>>
      %dma_wait3A_59 = tpu.memref_squeeze %dma_wait3A_58 : memref<1x80xi32, #tpu.memory_space<vmem>> -> memref<80xi32, #tpu.memory_space<vmem>>
      %dma_wait3A_60 = arith.constant 0 : i32
      %dma_wait3A_61 = arith.constant 0 : i32
      %dma_wait3A_62 = tpu.memref_slice %arg2[%dma_wait3A_60, %dma_wait3A_61] : memref<40000x96xf32, #tpu.memory_space<hbm>> -> memref<40000x96xf32, #tpu.memory_space<hbm>>
      tpu.wait_indirect_dma semaphore(%arg17 : memref<!tpu.dma_semaphore, #tpu.memory_space<semaphore_mem>>) src(%dma_wait3A_62 : memref<40000x96xf32, #tpu.memory_space<hbm>>) dst(%arg12 : memref<80x96xf32, #tpu.memory_space<vmem>>)
      "tpu.region"() ({
        %run_scoped3A = tpu.sem_alloc : memref<!tpu.dma_semaphore, #tpu.memory_space<semaphore_mem>>
        %dma_start3A_93 = arith.constant 0 : i32
        %dma_start3A_94 = tpu.memref_slice %arg11[%mul3A_49, %dma_start3A_93] : memref<250x80xi32, #tpu.memory_space<vmem>> -> memref<1x80xi32, #tpu.memory_space<vmem>>
        %dma_start3A_95 = tpu.memref_squeeze %dma_start3A_94 : memref<1x80xi32, #tpu.memory_space<vmem>> -> memref<80xi32, #tpu.memory_space<vmem>>
        %dma_start3A_96 = arith.constant 0 : i32
        %dma_start3A_97 = arith.constant 0 : i32
        %dma_start3A_98 = tpu.memref_slice %arg15[%dma_start3A_96, %dma_start3A_97] : memref<10000x96xf32, #tpu.memory_space<vmem_shared>> -> memref<10000x96xf32, #tpu.memory_space<vmem_shared>>
        tpu.enqueue_indirect_dma source(%arg12 : memref<80x96xf32, #tpu.memory_space<vmem>>) target(%dma_start3A_98 : memref<10000x96xf32, #tpu.memory_space<vmem_shared>>) offsets(%dma_start3A_95 : memref<80xi32, #tpu.memory_space<vmem>>) semaphore(%run_scoped3A : memref<!tpu.dma_semaphore, #tpu.memory_space<semaphore_mem>>) {add = true}
        %dma_wait3A_99 = arith.constant 0 : i32
        %dma_wait3A_100 = tpu.memref_slice %arg11[%mul3A_49, %dma_wait3A_99] : memref<250x80xi32, #tpu.memory_space<vmem>> -> memref<1x80xi32, #tpu.memory_space<vmem>>
        %dma_wait3A_101 = tpu.memref_squeeze %dma_wait3A_100 : memref<1x80xi32, #tpu.memory_space<vmem>> -> memref<80xi32, #tpu.memory_space<vmem>>
        %dma_wait3A_102 = arith.constant 0 : i32
        %dma_wait3A_103 = arith.constant 0 : i32
        %dma_wait3A_104 = tpu.memref_slice %arg15[%dma_wait3A_102, %dma_wait3A_103] : memref<10000x96xf32, #tpu.memory_space<vmem_shared>> -> memref<10000x96xf32, #tpu.memory_space<vmem_shared>>
        tpu.wait_indirect_dma semaphore(%run_scoped3A : memref<!tpu.dma_semaphore, #tpu.memory_space<semaphore_mem>>) src(%arg12 : memref<80x96xf32, #tpu.memory_space<vmem>>) dst(%dma_wait3A_104 : memref<10000x96xf32, #tpu.memory_space<vmem_shared>>)
        tpu.yield
      }) : () -> ()
      %eq3A_63 = arith.constant 0 : i32
      %eq3A_64 = arith.cmpi eq, %arg0, %eq3A_63 : i32
      %gt3A = arith.constant 0 : i32
      %gt3A_65 = arith.cmpi sgt, %scan3A_47, %gt3A : i32
      %and3A = arith.andi %eq3A_64, %gt3A_65 : i1
      %convert_element_type3A_66 = arith.extui %and3A : i1 to i32
      %cond3A_67 = arith.constant 0 : i32
      %cond3A_68 = arith.cmpi ne, %convert_element_type3A_66, %cond3A_67 : i32
      scf.if %cond3A_68 {
        %dma_wait3A_93 = arith.constant 0 : i32
        %dma_wait3A_94 = tpu.memref_slice %arg11[%mul3A_49, %dma_wait3A_93] : memref<250x80xi32, #tpu.memory_space<vmem>> -> memref<1x80xi32, #tpu.memory_space<vmem>>
        %dma_wait3A_95 = tpu.memref_squeeze %dma_wait3A_94 : memref<1x80xi32, #tpu.memory_space<vmem>> -> memref<80xi32, #tpu.memory_space<vmem>>
        %dma_wait3A_96 = arith.constant 0 : i32
        %dma_wait3A_97 = arith.constant 0 : i32
        %dma_wait3A_98 = tpu.memref_slice %arg16[%dma_wait3A_96, %dma_wait3A_97] : memref<10000x16xf32, #tpu.memory_space<vmem_shared>> -> memref<10000x16xf32, #tpu.memory_space<vmem_shared>>
        tpu.wait_indirect_dma semaphore(%arg19 : memref<!tpu.dma_semaphore, #tpu.memory_space<semaphore_mem>>) src(%arg14 : memref<80x16xf32, #tpu.memory_space<vmem>>) dst(%dma_wait3A_98 : memref<10000x16xf32, #tpu.memory_space<vmem_shared>>)
      } else {
      }
      %eq3A_69 = arith.constant 0 : i32
      %eq3A_70 = arith.cmpi eq, %arg0, %eq3A_69 : i32
      %convert_element_type3A_71 = arith.extui %eq3A_70 : i1 to i32
      %cond3A_72 = arith.constant 0 : i32
      %cond3A_73 = arith.cmpi ne, %convert_element_type3A_71, %cond3A_72 : i32
      scf.if %cond3A_73 {
        %dma_start3A_93 = arith.constant 0 : i32
        %dma_start3A_94 = tpu.memref_slice %arg11[%mul3A_49, %dma_start3A_93] : memref<250x80xi32, #tpu.memory_space<vmem>> -> memref<1x80xi32, #tpu.memory_space<vmem>>
        %dma_start3A_95 = tpu.memref_squeeze %dma_start3A_94 : memref<1x80xi32, #tpu.memory_space<vmem>> -> memref<80xi32, #tpu.memory_space<vmem>>
        %dma_start3A_96 = arith.constant 0 : i32
        %dma_start3A_97 = arith.constant 0 : i32
        %dma_start3A_98 = tpu.memref_slice %arg16[%dma_start3A_96, %dma_start3A_97] : memref<10000x16xf32, #tpu.memory_space<vmem_shared>> -> memref<10000x16xf32, #tpu.memory_space<vmem_shared>>
        tpu.enqueue_indirect_dma source(%arg14 : memref<80x16xf32, #tpu.memory_space<vmem>>) target(%dma_start3A_98 : memref<10000x16xf32, #tpu.memory_space<vmem_shared>>) offsets(%dma_start3A_95 : memref<80xi32, #tpu.memory_space<vmem>>) semaphore(%arg19 : memref<!tpu.dma_semaphore, #tpu.memory_space<semaphore_mem>>) {add = true}
      } else {
      }
      %lt3A = arith.constant 124 : i32
      %lt3A_74 = arith.cmpi slt, %scan3A_47, %lt3A : i32
      %convert_element_type3A_75 = arith.extui %lt3A_74 : i1 to i32
      %cond3A_76 = arith.constant 0 : i32
      %cond3A_77 = arith.cmpi ne, %convert_element_type3A_75, %cond3A_76 : i32
      scf.if %cond3A_77 {
        %add3A_93 = arith.constant 2 : i32
        %add3A_94 = arith.addi %mul3A_49, %add3A_93 : i32
        %dma_start3A_95 = arith.constant 0 : i32
        %dma_start3A_96 = tpu.memref_slice %arg10[%add3A_94, %dma_start3A_95] : memref<250x80xi32, #tpu.memory_space<vmem>> -> memref<1x80xi32, #tpu.memory_space<vmem>>
        %dma_start3A_97 = tpu.memref_squeeze %dma_start3A_96 : memref<1x80xi32, #tpu.memory_space<vmem>> -> memref<80xi32, #tpu.memory_space<vmem>>
        %dma_start3A_98 = arith.constant 0 : i32
        %dma_start3A_99 = arith.constant 0 : i32
        %dma_start3A_100 = tpu.memref_slice %arg2[%dma_start3A_98, %dma_start3A_99] : memref<40000x96xf32, #tpu.memory_space<hbm>> -> memref<40000x96xf32, #tpu.memory_space<hbm>>
        tpu.enqueue_indirect_dma source(%dma_start3A_100 : memref<40000x96xf32, #tpu.memory_space<hbm>>) target(%arg12 : memref<80x96xf32, #tpu.memory_space<vmem>>) offsets(%dma_start3A_97 : memref<80xi32, #tpu.memory_space<vmem>>) semaphore(%arg17 : memref<!tpu.dma_semaphore, #tpu.memory_space<semaphore_mem>>)
      } else {
      }
      %add3A_78 = arith.constant 1 : i32
      %add3A_79 = arith.addi %mul3A_49, %add3A_78 : i32
      %dma_wait3A_80 = arith.constant 0 : i32
      %dma_wait3A_81 = tpu.memref_slice %arg10[%add3A_79, %dma_wait3A_80] : memref<250x80xi32, #tpu.memory_space<vmem>> -> memref<1x80xi32, #tpu.memory_space<vmem>>
      %dma_wait3A_82 = tpu.memref_squeeze %dma_wait3A_81 : memref<1x80xi32, #tpu.memory_space<vmem>> -> memref<80xi32, #tpu.memory_space<vmem>>
      %dma_wait3A_83 = arith.constant 0 : i32
      %dma_wait3A_84 = arith.constant 0 : i32
      %dma_wait3A_85 = tpu.memref_slice %arg2[%dma_wait3A_83, %dma_wait3A_84] : memref<40000x96xf32, #tpu.memory_space<hbm>> -> memref<40000x96xf32, #tpu.memory_space<hbm>>
      tpu.wait_indirect_dma semaphore(%arg18 : memref<!tpu.dma_semaphore, #tpu.memory_space<semaphore_mem>>) src(%dma_wait3A_85 : memref<40000x96xf32, #tpu.memory_space<hbm>>) dst(%arg13 : memref<80x96xf32, #tpu.memory_space<vmem>>)
      %add3A_86 = arith.constant 1 : i32
      %add3A_87 = arith.addi %mul3A_49, %add3A_86 : i32
      "tpu.region"() ({
        %run_scoped3A = tpu.sem_alloc : memref<!tpu.dma_semaphore, #tpu.memory_space<semaphore_mem>>
        %dma_start3A_93 = arith.constant 0 : i32
        %dma_start3A_94 = tpu.memref_slice %arg11[%add3A_87, %dma_start3A_93] : memref<250x80xi32, #tpu.memory_space<vmem>> -> memref<1x80xi32, #tpu.memory_space<vmem>>
        %dma_start3A_95 = tpu.memref_squeeze %dma_start3A_94 : memref<1x80xi32, #tpu.memory_space<vmem>> -> memref<80xi32, #tpu.memory_space<vmem>>
        %dma_start3A_96 = arith.constant 0 : i32
        %dma_start3A_97 = arith.constant 0 : i32
        %dma_start3A_98 = tpu.memref_slice %arg15[%dma_start3A_96, %dma_start3A_97] : memref<10000x96xf32, #tpu.memory_space<vmem_shared>> -> memref<10000x96xf32, #tpu.memory_space<vmem_shared>>
        tpu.enqueue_indirect_dma source(%arg13 : memref<80x96xf32, #tpu.memory_space<vmem>>) target(%dma_start3A_98 : memref<10000x96xf32, #tpu.memory_space<vmem_shared>>) offsets(%dma_start3A_95 : memref<80xi32, #tpu.memory_space<vmem>>) semaphore(%run_scoped3A : memref<!tpu.dma_semaphore, #tpu.memory_space<semaphore_mem>>) {add = true}
        %dma_wait3A_99 = arith.constant 0 : i32
        %dma_wait3A_100 = tpu.memref_slice %arg11[%add3A_87, %dma_wait3A_99] : memref<250x80xi32, #tpu.memory_space<vmem>> -> memref<1x80xi32, #tpu.memory_space<vmem>>
        %dma_wait3A_101 = tpu.memref_squeeze %dma_wait3A_100 : memref<1x80xi32, #tpu.memory_space<vmem>> -> memref<80xi32, #tpu.memory_space<vmem>>
        %dma_wait3A_102 = arith.constant 0 : i32
        %dma_wait3A_103 = arith.constant 0 : i32
        %dma_wait3A_104 = tpu.memref_slice %arg15[%dma_wait3A_102, %dma_wait3A_103] : memref<10000x96xf32, #tpu.memory_space<vmem_shared>> -> memref<10000x96xf32, #tpu.memory_space<vmem_shared>>
        tpu.wait_indirect_dma semaphore(%run_scoped3A : memref<!tpu.dma_semaphore, #tpu.memory_space<semaphore_mem>>) src(%arg13 : memref<80x96xf32, #tpu.memory_space<vmem>>) dst(%dma_wait3A_104 : memref<10000x96xf32, #tpu.memory_space<vmem_shared>>)
        tpu.yield
      }) : () -> ()
      %eq3A_88 = arith.constant 0 : i32
      %eq3A_89 = arith.cmpi eq, %arg0, %eq3A_88 : i32
      %convert_element_type3A_90 = arith.extui %eq3A_89 : i1 to i32
      %cond3A_91 = arith.constant 0 : i32
      %cond3A_92 = arith.cmpi ne, %convert_element_type3A_90, %cond3A_91 : i32
      scf.if %cond3A_92 {
        %dma_wait3A_93 = arith.constant 0 : i32
        %dma_wait3A_94 = tpu.memref_slice %arg11[%mul3A_49, %dma_wait3A_93] : memref<250x80xi32, #tpu.memory_space<vmem>> -> memref<1x80xi32, #tpu.memory_space<vmem>>
        %dma_wait3A_95 = tpu.memref_squeeze %dma_wait3A_94 : memref<1x80xi32, #tpu.memory_space<vmem>> -> memref<80xi32, #tpu.memory_space<vmem>>
        %dma_wait3A_96 = arith.constant 0 : i32
        %dma_wait3A_97 = arith.constant 0 : i32
        %dma_wait3A_98 = tpu.memref_slice %arg16[%dma_wait3A_96, %dma_wait3A_97] : memref<10000x16xf32, #tpu.memory_space<vmem_shared>> -> memref<10000x16xf32, #tpu.memory_space<vmem_shared>>
        tpu.wait_indirect_dma semaphore(%arg19 : memref<!tpu.dma_semaphore, #tpu.memory_space<semaphore_mem>>) src(%arg14 : memref<80x16xf32, #tpu.memory_space<vmem>>) dst(%dma_wait3A_98 : memref<10000x16xf32, #tpu.memory_space<vmem_shared>>)
        %add3A_99 = arith.constant 1 : i32
        %add3A_100 = arith.addi %mul3A_49, %add3A_99 : i32
        %dma_start3A_101 = arith.constant 0 : i32
        %dma_start3A_102 = tpu.memref_slice %arg11[%add3A_100, %dma_start3A_101] : memref<250x80xi32, #tpu.memory_space<vmem>> -> memref<1x80xi32, #tpu.memory_space<vmem>>
        %dma_start3A_103 = tpu.memref_squeeze %dma_start3A_102 : memref<1x80xi32, #tpu.memory_space<vmem>> -> memref<80xi32, #tpu.memory_space<vmem>>
        %dma_start3A_104 = arith.constant 0 : i32
        %dma_start3A_105 = arith.constant 0 : i32
        %dma_start3A_106 = tpu.memref_slice %arg16[%dma_start3A_104, %dma_start3A_105] : memref<10000x16xf32, #tpu.memory_space<vmem_shared>> -> memref<10000x16xf32, #tpu.memory_space<vmem_shared>>
        tpu.enqueue_indirect_dma source(%arg14 : memref<80x16xf32, #tpu.memory_space<vmem>>) target(%dma_start3A_106 : memref<10000x16xf32, #tpu.memory_space<vmem_shared>>) offsets(%dma_start3A_103 : memref<80xi32, #tpu.memory_space<vmem>>) semaphore(%arg19 : memref<!tpu.dma_semaphore, #tpu.memory_space<semaphore_mem>>) {add = true}
      } else {
      }
    }
    %scan3A_15 = arith.constant 125 : i32
    %eq3A_16 = arith.constant 0 : i32
    %eq3A_17 = arith.cmpi eq, %arg0, %eq3A_16 : i32
    %convert_element_type3A_18 = arith.extui %eq3A_17 : i1 to i32
    %cond3A_19 = arith.constant 0 : i32
    %cond3A_20 = arith.cmpi ne, %convert_element_type3A_18, %cond3A_19 : i32
    scf.if %cond3A_20 {
      %dma_wait3A = arith.constant 0 : i32
      %dma_wait3A_47 = arith.constant 0 : i32
      %dma_wait3A_48 = tpu.memref_slice %arg11[%dma_wait3A, %dma_wait3A_47] : memref<250x80xi32, #tpu.memory_space<vmem>> -> memref<1x80xi32, #tpu.memory_space<vmem>>
      %dma_wait3A_49 = tpu.memref_squeeze %dma_wait3A_48 : memref<1x80xi32, #tpu.memory_space<vmem>> -> memref<80xi32, #tpu.memory_space<vmem>>
      %dma_wait3A_50 = arith.constant 0 : i32
      %dma_wait3A_51 = arith.constant 0 : i32
      %dma_wait3A_52 = tpu.memref_slice %arg16[%dma_wait3A_50, %dma_wait3A_51] : memref<10000x16xf32, #tpu.memory_space<vmem_shared>> -> memref<10000x16xf32, #tpu.memory_space<vmem_shared>>
      tpu.wait_indirect_dma semaphore(%arg19 : memref<!tpu.dma_semaphore, #tpu.memory_space<semaphore_mem>>) src(%arg14 : memref<80x16xf32, #tpu.memory_space<vmem>>) dst(%dma_wait3A_52 : memref<10000x16xf32, #tpu.memory_space<vmem_shared>>)
    } else {
    }
    %barrier3A_21 = arith.constant 0 : index
    tpu.barrier barrier_id(%barrier3A_21)
    "tpu.region"() ({
      %run_scoped3A = tpu.sem_alloc : memref<!tpu.dma_semaphore, #tpu.memory_space<semaphore_mem>>
      %dma_start3A_47 = arith.constant 0 : i32
      %dma_start3A_48 = tpu.memref_slice %arg8[%add3A_3, %mul3A_0, %dma_start3A_47] : memref<4x10000x96xf32, #tpu.memory_space<hbm>> -> memref<1x625x96xf32, #tpu.memory_space<hbm>>
      %dma_start3A_49 = tpu.memref_squeeze %dma_start3A_48 : memref<1x625x96xf32, #tpu.memory_space<hbm>> -> memref<625x96xf32, #tpu.memory_space<hbm>>
      %dma_start3A_50 = arith.constant 0 : i32
      %dma_start3A_51 = tpu.memref_slice %arg15[%mul3A_0, %dma_start3A_50] : memref<10000x96xf32, #tpu.memory_space<vmem_shared>> -> memref<625x96xf32, #tpu.memory_space<vmem_shared>>
      tpu.enqueue_dma source(%dma_start3A_51 : memref<625x96xf32, #tpu.memory_space<vmem_shared>>) target(%dma_start3A_49 : memref<625x96xf32, #tpu.memory_space<hbm>>) target_semaphore(%run_scoped3A : memref<!tpu.dma_semaphore, #tpu.memory_space<semaphore_mem>>)
      %dma_wait3A = arith.constant 0 : i32
      %dma_wait3A_52 = tpu.memref_slice %arg8[%add3A_3, %mul3A_0, %dma_wait3A] : memref<4x10000x96xf32, #tpu.memory_space<hbm>> -> memref<1x625x96xf32, #tpu.memory_space<hbm>>
      %dma_wait3A_53 = tpu.memref_squeeze %dma_wait3A_52 : memref<1x625x96xf32, #tpu.memory_space<hbm>> -> memref<625x96xf32, #tpu.memory_space<hbm>>
      %dma_wait3A_54 = arith.constant 0 : i32
      %dma_wait3A_55 = tpu.memref_slice %arg15[%mul3A_0, %dma_wait3A_54] : memref<10000x96xf32, #tpu.memory_space<vmem_shared>> -> memref<625x96xf32, #tpu.memory_space<vmem_shared>>
      tpu.wait_dma2 semaphore(%run_scoped3A : memref<!tpu.dma_semaphore, #tpu.memory_space<semaphore_mem>>) src(%dma_wait3A_55 : memref<625x96xf32, #tpu.memory_space<vmem_shared>>) dst(%dma_wait3A_53 : memref<625x96xf32, #tpu.memory_space<hbm>>)
      tpu.yield
    }) : () -> ()
    %eq3A_22 = arith.constant 0 : i32
    %eq3A_23 = arith.cmpi eq, %arg0, %eq3A_22 : i32
    %convert_element_type3A_24 = arith.extui %eq3A_23 : i1 to i32
    %cond3A_25 = arith.constant 0 : i32
    %cond3A_26 = arith.cmpi ne, %convert_element_type3A_24, %cond3A_25 : i32
    scf.if %cond3A_26 {
      "tpu.region"() ({
        %run_scoped3A = tpu.sem_alloc : memref<!tpu.dma_semaphore, #tpu.memory_space<semaphore_mem>>
        %dma_start3A_47 = arith.constant 0 : i32
        %dma_start3A_48 = tpu.memref_slice %arg9[%mul3A_0, %dma_start3A_47] : memref<10000x16xf32, #tpu.memory_space<hbm>> -> memref<625x16xf32, #tpu.memory_space<hbm>>
        %dma_start3A_49 = arith.constant 0 : i32
        %dma_start3A_50 = tpu.memref_slice %arg16[%mul3A_0, %dma_start3A_49] : memref<10000x16xf32, #tpu.memory_space<vmem_shared>> -> memref<625x16xf32, #tpu.memory_space<vmem_shared>>
        tpu.enqueue_dma source(%dma_start3A_50 : memref<625x16xf32, #tpu.memory_space<vmem_shared>>) target(%dma_start3A_48 : memref<625x16xf32, #tpu.memory_space<hbm>>) target_semaphore(%run_scoped3A : memref<!tpu.dma_semaphore, #tpu.memory_space<semaphore_mem>>)
        %dma_wait3A = arith.constant 0 : i32
        %dma_wait3A_51 = tpu.memref_slice %arg9[%mul3A_0, %dma_wait3A] : memref<10000x16xf32, #tpu.memory_space<hbm>> -> memref<625x16xf32, #tpu.memory_space<hbm>>
        %dma_wait3A_52 = arith.constant 0 : i32
        %dma_wait3A_53 = tpu.memref_slice %arg16[%mul3A_0, %dma_wait3A_52] : memref<10000x16xf32, #tpu.memory_space<vmem_shared>> -> memref<625x16xf32, #tpu.memory_space<vmem_shared>>
        tpu.wait_dma2 semaphore(%run_scoped3A : memref<!tpu.dma_semaphore, #tpu.memory_space<semaphore_mem>>) src(%dma_wait3A_53 : memref<625x16xf32, #tpu.memory_space<vmem_shared>>) dst(%dma_wait3A_51 : memref<625x16xf32, #tpu.memory_space<hbm>>)
        tpu.yield
      }) : () -> ()
    } else {
    }
    %barrier3A_27 = arith.constant 0 : index
    tpu.barrier barrier_id(%barrier3A_27)
    %mul3A_28 = arith.constant 2 : i32
    %mul3A_29 = arith.muli %mul3A_28, %arg0 : i32
    %add3A_30 = arith.constant 1 : i32
    %add3A_31 = arith.addi %mul3A_29, %add3A_30 : i32
    "tpu.region"() ({
      %run_scoped3A = tpu.sem_alloc : memref<!tpu.dma_semaphore, #tpu.memory_space<semaphore_mem>>
      %dma_start3A_47 = arith.constant 0 : i32
      %dma_start3A_48 = tpu.memref_slice %arg15[%mul3A_0, %dma_start3A_47] : memref<10000x96xf32, #tpu.memory_space<vmem_shared>> -> memref<625x96xf32, #tpu.memory_space<vmem_shared>>
      %dma_start3A_49 = arith.constant 0 : i32
      %dma_start3A_50 = tpu.memref_slice %arg5[%mul3A_0, %dma_start3A_49] : memref<10000x96xf32, #tpu.memory_space<hbm>> -> memref<625x96xf32, #tpu.memory_space<hbm>>
      tpu.enqueue_dma source(%dma_start3A_50 : memref<625x96xf32, #tpu.memory_space<hbm>>) target(%dma_start3A_48 : memref<625x96xf32, #tpu.memory_space<vmem_shared>>) target_semaphore(%run_scoped3A : memref<!tpu.dma_semaphore, #tpu.memory_space<semaphore_mem>>)
      %dma_wait3A = arith.constant 0 : i32
      %dma_wait3A_51 = tpu.memref_slice %arg15[%mul3A_0, %dma_wait3A] : memref<10000x96xf32, #tpu.memory_space<vmem_shared>> -> memref<625x96xf32, #tpu.memory_space<vmem_shared>>
      %dma_wait3A_52 = arith.constant 0 : i32
      %dma_wait3A_53 = tpu.memref_slice %arg5[%mul3A_0, %dma_wait3A_52] : memref<10000x96xf32, #tpu.memory_space<hbm>> -> memref<625x96xf32, #tpu.memory_space<hbm>>
      tpu.wait_dma2 semaphore(%run_scoped3A : memref<!tpu.dma_semaphore, #tpu.memory_space<semaphore_mem>>) src(%dma_wait3A_53 : memref<625x96xf32, #tpu.memory_space<hbm>>) dst(%dma_wait3A_51 : memref<625x96xf32, #tpu.memory_space<vmem_shared>>)
      tpu.yield
    }) : () -> ()
    "tpu.region"() ({
      %run_scoped3A = tpu.sem_alloc : memref<!tpu.dma_semaphore, #tpu.memory_space<semaphore_mem>>
      %dma_start3A_47 = arith.constant 0 : i32
      %dma_start3A_48 = arith.constant 0 : i32
      %dma_start3A_49 = tpu.memref_slice %arg3[%add3A_31, %arg1, %dma_start3A_47, %dma_start3A_48] : memref<4x16x250x80xi32, #tpu.memory_space<hbm>> -> memref<1x1x250x80xi32, #tpu.memory_space<hbm>>
      %dma_start3A_50 = tpu.memref_squeeze %dma_start3A_49 : memref<1x1x250x80xi32, #tpu.memory_space<hbm>> -> memref<250x80xi32, #tpu.memory_space<hbm>>
      %dma_start3A_51 = arith.constant 0 : i32
      %dma_start3A_52 = arith.constant 0 : i32
      %dma_start3A_53 = tpu.memref_slice %arg3[%add3A_31, %arg1, %dma_start3A_51, %dma_start3A_52] : memref<4x16x250x80xi32, #tpu.memory_space<hbm>> -> memref<1x1x250x80xi32, #tpu.memory_space<hbm>>
      %dma_start3A_54 = tpu.memref_squeeze %dma_start3A_53 : memref<1x1x250x80xi32, #tpu.memory_space<hbm>> -> memref<250x80xi32, #tpu.memory_space<hbm>>
      tpu.enqueue_dma source(%dma_start3A_54 : memref<250x80xi32, #tpu.memory_space<hbm>>) target(%arg10 : memref<250x80xi32, #tpu.memory_space<vmem>>) target_semaphore(%run_scoped3A : memref<!tpu.dma_semaphore, #tpu.memory_space<semaphore_mem>>)
      %dma_wait3A = arith.constant 0 : i32
      %dma_wait3A_55 = arith.constant 0 : i32
      %dma_wait3A_56 = tpu.memref_slice %arg3[%add3A_31, %arg1, %dma_wait3A, %dma_wait3A_55] : memref<4x16x250x80xi32, #tpu.memory_space<hbm>> -> memref<1x1x250x80xi32, #tpu.memory_space<hbm>>
      %dma_wait3A_57 = tpu.memref_squeeze %dma_wait3A_56 : memref<1x1x250x80xi32, #tpu.memory_space<hbm>> -> memref<250x80xi32, #tpu.memory_space<hbm>>
      %dma_wait3A_58 = arith.constant 0 : i32
      %dma_wait3A_59 = arith.constant 0 : i32
      %dma_wait3A_60 = tpu.memref_slice %arg3[%add3A_31, %arg1, %dma_wait3A_58, %dma_wait3A_59] : memref<4x16x250x80xi32, #tpu.memory_space<hbm>> -> memref<1x1x250x80xi32, #tpu.memory_space<hbm>>
      %dma_wait3A_61 = tpu.memref_squeeze %dma_wait3A_60 : memref<1x1x250x80xi32, #tpu.memory_space<hbm>> -> memref<250x80xi32, #tpu.memory_space<hbm>>
      tpu.wait_dma2 semaphore(%run_scoped3A : memref<!tpu.dma_semaphore, #tpu.memory_space<semaphore_mem>>) src(%dma_wait3A_61 : memref<250x80xi32, #tpu.memory_space<hbm>>) dst(%arg10 : memref<250x80xi32, #tpu.memory_space<vmem>>)
      tpu.yield
    }) : () -> ()
    %barrier3A_32 = arith.constant 0 : index
    tpu.barrier barrier_id(%barrier3A_32)
    %dma_start3A_33 = arith.constant 0 : i32
    %dma_start3A_34 = arith.constant 0 : i32
    %dma_start3A_35 = tpu.memref_slice %arg10[%dma_start3A_33, %dma_start3A_34] : memref<250x80xi32, #tpu.memory_space<vmem>> -> memref<1x80xi32, #tpu.memory_space<vmem>>
    %dma_start3A_36 = tpu.memref_squeeze %dma_start3A_35 : memref<1x80xi32, #tpu.memory_space<vmem>> -> memref<80xi32, #tpu.memory_space<vmem>>
    %dma_start3A_37 = arith.constant 0 : i32
    %dma_start3A_38 = arith.constant 0 : i32
    %dma_start3A_39 = tpu.memref_slice %arg2[%dma_start3A_37, %dma_start3A_38] : memref<40000x96xf32, #tpu.memory_space<hbm>> -> memref<40000x96xf32, #tpu.memory_space<hbm>>
    tpu.enqueue_indirect_dma source(%dma_start3A_39 : memref<40000x96xf32, #tpu.memory_space<hbm>>) target(%arg12 : memref<80x96xf32, #tpu.memory_space<vmem>>) offsets(%dma_start3A_36 : memref<80xi32, #tpu.memory_space<vmem>>) semaphore(%arg17 : memref<!tpu.dma_semaphore, #tpu.memory_space<semaphore_mem>>)
    %scan3A_40 = arith.constant 0 : i32
    %scan3A_41 = arith.constant 125 : i32
    %scan3A_42 = arith.addi %scan3A_40, %scan3A_41 : i32
    %scan3A_43 = arith.constant 1 : i32
    scf.for %scan3A_47 = %scan3A_40 to %scan3A_42 step %scan3A_43  : i32 {
      %mul3A_48 = arith.constant 2 : i32
      %mul3A_49 = arith.muli %mul3A_48, %scan3A_47 : i32
      %add3A_50 = arith.constant 1 : i32
      %add3A_51 = arith.addi %mul3A_49, %add3A_50 : i32
      %dma_start3A_52 = arith.constant 0 : i32
      %dma_start3A_53 = tpu.memref_slice %arg10[%add3A_51, %dma_start3A_52] : memref<250x80xi32, #tpu.memory_space<vmem>> -> memref<1x80xi32, #tpu.memory_space<vmem>>
      %dma_start3A_54 = tpu.memref_squeeze %dma_start3A_53 : memref<1x80xi32, #tpu.memory_space<vmem>> -> memref<80xi32, #tpu.memory_space<vmem>>
      %dma_start3A_55 = arith.constant 0 : i32
      %dma_start3A_56 = arith.constant 0 : i32
      %dma_start3A_57 = tpu.memref_slice %arg2[%dma_start3A_55, %dma_start3A_56] : memref<40000x96xf32, #tpu.memory_space<hbm>> -> memref<40000x96xf32, #tpu.memory_space<hbm>>
      tpu.enqueue_indirect_dma source(%dma_start3A_57 : memref<40000x96xf32, #tpu.memory_space<hbm>>) target(%arg13 : memref<80x96xf32, #tpu.memory_space<vmem>>) offsets(%dma_start3A_54 : memref<80xi32, #tpu.memory_space<vmem>>) semaphore(%arg18 : memref<!tpu.dma_semaphore, #tpu.memory_space<semaphore_mem>>)
      %dma_wait3A = arith.constant 0 : i32
      %dma_wait3A_58 = tpu.memref_slice %arg10[%mul3A_49, %dma_wait3A] : memref<250x80xi32, #tpu.memory_space<vmem>> -> memref<1x80xi32, #tpu.memory_space<vmem>>
      %dma_wait3A_59 = tpu.memref_squeeze %dma_wait3A_58 : memref<1x80xi32, #tpu.memory_space<vmem>> -> memref<80xi32, #tpu.memory_space<vmem>>
      %dma_wait3A_60 = arith.constant 0 : i32
      %dma_wait3A_61 = arith.constant 0 : i32
      %dma_wait3A_62 = tpu.memref_slice %arg2[%dma_wait3A_60, %dma_wait3A_61] : memref<40000x96xf32, #tpu.memory_space<hbm>> -> memref<40000x96xf32, #tpu.memory_space<hbm>>
      tpu.wait_indirect_dma semaphore(%arg17 : memref<!tpu.dma_semaphore, #tpu.memory_space<semaphore_mem>>) src(%dma_wait3A_62 : memref<40000x96xf32, #tpu.memory_space<hbm>>) dst(%arg12 : memref<80x96xf32, #tpu.memory_space<vmem>>)
      "tpu.region"() ({
        %run_scoped3A = tpu.sem_alloc : memref<!tpu.dma_semaphore, #tpu.memory_space<semaphore_mem>>
        %dma_start3A_77 = arith.constant 0 : i32
        %dma_start3A_78 = tpu.memref_slice %arg11[%mul3A_49, %dma_start3A_77] : memref<250x80xi32, #tpu.memory_space<vmem>> -> memref<1x80xi32, #tpu.memory_space<vmem>>
        %dma_start3A_79 = tpu.memref_squeeze %dma_start3A_78 : memref<1x80xi32, #tpu.memory_space<vmem>> -> memref<80xi32, #tpu.memory_space<vmem>>
        %dma_start3A_80 = arith.constant 0 : i32
        %dma_start3A_81 = arith.constant 0 : i32
        %dma_start3A_82 = tpu.memref_slice %arg15[%dma_start3A_80, %dma_start3A_81] : memref<10000x96xf32, #tpu.memory_space<vmem_shared>> -> memref<10000x96xf32, #tpu.memory_space<vmem_shared>>
        tpu.enqueue_indirect_dma source(%arg12 : memref<80x96xf32, #tpu.memory_space<vmem>>) target(%dma_start3A_82 : memref<10000x96xf32, #tpu.memory_space<vmem_shared>>) offsets(%dma_start3A_79 : memref<80xi32, #tpu.memory_space<vmem>>) semaphore(%run_scoped3A : memref<!tpu.dma_semaphore, #tpu.memory_space<semaphore_mem>>) {add = true}
        %dma_wait3A_83 = arith.constant 0 : i32
        %dma_wait3A_84 = tpu.memref_slice %arg11[%mul3A_49, %dma_wait3A_83] : memref<250x80xi32, #tpu.memory_space<vmem>> -> memref<1x80xi32, #tpu.memory_space<vmem>>
        %dma_wait3A_85 = tpu.memref_squeeze %dma_wait3A_84 : memref<1x80xi32, #tpu.memory_space<vmem>> -> memref<80xi32, #tpu.memory_space<vmem>>
        %dma_wait3A_86 = arith.constant 0 : i32
        %dma_wait3A_87 = arith.constant 0 : i32
        %dma_wait3A_88 = tpu.memref_slice %arg15[%dma_wait3A_86, %dma_wait3A_87] : memref<10000x96xf32, #tpu.memory_space<vmem_shared>> -> memref<10000x96xf32, #tpu.memory_space<vmem_shared>>
        tpu.wait_indirect_dma semaphore(%run_scoped3A : memref<!tpu.dma_semaphore, #tpu.memory_space<semaphore_mem>>) src(%arg12 : memref<80x96xf32, #tpu.memory_space<vmem>>) dst(%dma_wait3A_88 : memref<10000x96xf32, #tpu.memory_space<vmem_shared>>)
        tpu.yield
      }) : () -> ()
      %lt3A = arith.constant 124 : i32
      %lt3A_63 = arith.cmpi slt, %scan3A_47, %lt3A : i32
      %convert_element_type3A_64 = arith.extui %lt3A_63 : i1 to i32
      %cond3A_65 = arith.constant 0 : i32
      %cond3A_66 = arith.cmpi ne, %convert_element_type3A_64, %cond3A_65 : i32
      scf.if %cond3A_66 {
        %add3A_77 = arith.constant 2 : i32
        %add3A_78 = arith.addi %mul3A_49, %add3A_77 : i32
        %dma_start3A_79 = arith.constant 0 : i32
        %dma_start3A_80 = tpu.memref_slice %arg10[%add3A_78, %dma_start3A_79] : memref<250x80xi32, #tpu.memory_space<vmem>> -> memref<1x80xi32, #tpu.memory_space<vmem>>
        %dma_start3A_81 = tpu.memref_squeeze %dma_start3A_80 : memref<1x80xi32, #tpu.memory_space<vmem>> -> memref<80xi32, #tpu.memory_space<vmem>>
        %dma_start3A_82 = arith.constant 0 : i32
        %dma_start3A_83 = arith.constant 0 : i32
        %dma_start3A_84 = tpu.memref_slice %arg2[%dma_start3A_82, %dma_start3A_83] : memref<40000x96xf32, #tpu.memory_space<hbm>> -> memref<40000x96xf32, #tpu.memory_space<hbm>>
        tpu.enqueue_indirect_dma source(%dma_start3A_84 : memref<40000x96xf32, #tpu.memory_space<hbm>>) target(%arg12 : memref<80x96xf32, #tpu.memory_space<vmem>>) offsets(%dma_start3A_81 : memref<80xi32, #tpu.memory_space<vmem>>) semaphore(%arg17 : memref<!tpu.dma_semaphore, #tpu.memory_space<semaphore_mem>>)
      } else {
      }
      %add3A_67 = arith.constant 1 : i32
      %add3A_68 = arith.addi %mul3A_49, %add3A_67 : i32
      %dma_wait3A_69 = arith.constant 0 : i32
      %dma_wait3A_70 = tpu.memref_slice %arg10[%add3A_68, %dma_wait3A_69] : memref<250x80xi32, #tpu.memory_space<vmem>> -> memref<1x80xi32, #tpu.memory_space<vmem>>
      %dma_wait3A_71 = tpu.memref_squeeze %dma_wait3A_70 : memref<1x80xi32, #tpu.memory_space<vmem>> -> memref<80xi32, #tpu.memory_space<vmem>>
      %dma_wait3A_72 = arith.constant 0 : i32
      %dma_wait3A_73 = arith.constant 0 : i32
      %dma_wait3A_74 = tpu.memref_slice %arg2[%dma_wait3A_72, %dma_wait3A_73] : memref<40000x96xf32, #tpu.memory_space<hbm>> -> memref<40000x96xf32, #tpu.memory_space<hbm>>
      tpu.wait_indirect_dma semaphore(%arg18 : memref<!tpu.dma_semaphore, #tpu.memory_space<semaphore_mem>>) src(%dma_wait3A_74 : memref<40000x96xf32, #tpu.memory_space<hbm>>) dst(%arg13 : memref<80x96xf32, #tpu.memory_space<vmem>>)
      %add3A_75 = arith.constant 1 : i32
      %add3A_76 = arith.addi %mul3A_49, %add3A_75 : i32
      "tpu.region"() ({
        %run_scoped3A = tpu.sem_alloc : memref<!tpu.dma_semaphore, #tpu.memory_space<semaphore_mem>>
        %dma_start3A_77 = arith.constant 0 : i32
        %dma_start3A_78 = tpu.memref_slice %arg11[%add3A_76, %dma_start3A_77] : memref<250x80xi32, #tpu.memory_space<vmem>> -> memref<1x80xi32, #tpu.memory_space<vmem>>
        %dma_start3A_79 = tpu.memref_squeeze %dma_start3A_78 : memref<1x80xi32, #tpu.memory_space<vmem>> -> memref<80xi32, #tpu.memory_space<vmem>>
        %dma_start3A_80 = arith.constant 0 : i32
        %dma_start3A_81 = arith.constant 0 : i32
        %dma_start3A_82 = tpu.memref_slice %arg15[%dma_start3A_80, %dma_start3A_81] : memref<10000x96xf32, #tpu.memory_space<vmem_shared>> -> memref<10000x96xf32, #tpu.memory_space<vmem_shared>>
        tpu.enqueue_indirect_dma source(%arg13 : memref<80x96xf32, #tpu.memory_space<vmem>>) target(%dma_start3A_82 : memref<10000x96xf32, #tpu.memory_space<vmem_shared>>) offsets(%dma_start3A_79 : memref<80xi32, #tpu.memory_space<vmem>>) semaphore(%run_scoped3A : memref<!tpu.dma_semaphore, #tpu.memory_space<semaphore_mem>>) {add = true}
        %dma_wait3A_83 = arith.constant 0 : i32
        %dma_wait3A_84 = tpu.memref_slice %arg11[%add3A_76, %dma_wait3A_83] : memref<250x80xi32, #tpu.memory_space<vmem>> -> memref<1x80xi32, #tpu.memory_space<vmem>>
        %dma_wait3A_85 = tpu.memref_squeeze %dma_wait3A_84 : memref<1x80xi32, #tpu.memory_space<vmem>> -> memref<80xi32, #tpu.memory_space<vmem>>
        %dma_wait3A_86 = arith.constant 0 : i32
        %dma_wait3A_87 = arith.constant 0 : i32
        %dma_wait3A_88 = tpu.memref_slice %arg15[%dma_wait3A_86, %dma_wait3A_87] : memref<10000x96xf32, #tpu.memory_space<vmem_shared>> -> memref<10000x96xf32, #tpu.memory_space<vmem_shared>>
        tpu.wait_indirect_dma semaphore(%run_scoped3A : memref<!tpu.dma_semaphore, #tpu.memory_space<semaphore_mem>>) src(%arg13 : memref<80x96xf32, #tpu.memory_space<vmem>>) dst(%dma_wait3A_88 : memref<10000x96xf32, #tpu.memory_space<vmem_shared>>)
        tpu.yield
      }) : () -> ()
    }
    %scan3A_44 = arith.constant 125 : i32
    %barrier3A_45 = arith.constant 0 : index
    tpu.barrier barrier_id(%barrier3A_45)
    "tpu.region"() ({
      %run_scoped3A = tpu.sem_alloc : memref<!tpu.dma_semaphore, #tpu.memory_space<semaphore_mem>>
      %dma_start3A_47 = arith.constant 0 : i32
      %dma_start3A_48 = tpu.memref_slice %arg8[%add3A_31, %mul3A_0, %dma_start3A_47] : memref<4x10000x96xf32, #tpu.memory_space<hbm>> -> memref<1x625x96xf32, #tpu.memory_space<hbm>>
      %dma_start3A_49 = tpu.memref_squeeze %dma_start3A_48 : memref<1x625x96xf32, #tpu.memory_space<hbm>> -> memref<625x96xf32, #tpu.memory_space<hbm>>
      %dma_start3A_50 = arith.constant 0 : i32
      %dma_start3A_51 = tpu.memref_slice %arg15[%mul3A_0, %dma_start3A_50] : memref<10000x96xf32, #tpu.memory_space<vmem_shared>> -> memref<625x96xf32, #tpu.memory_space<vmem_shared>>
      tpu.enqueue_dma source(%dma_start3A_51 : memref<625x96xf32, #tpu.memory_space<vmem_shared>>) target(%dma_start3A_49 : memref<625x96xf32, #tpu.memory_space<hbm>>) target_semaphore(%run_scoped3A : memref<!tpu.dma_semaphore, #tpu.memory_space<semaphore_mem>>)
      %dma_wait3A = arith.constant 0 : i32
      %dma_wait3A_52 = tpu.memref_slice %arg8[%add3A_31, %mul3A_0, %dma_wait3A] : memref<4x10000x96xf32, #tpu.memory_space<hbm>> -> memref<1x625x96xf32, #tpu.memory_space<hbm>>
      %dma_wait3A_53 = tpu.memref_squeeze %dma_wait3A_52 : memref<1x625x96xf32, #tpu.memory_space<hbm>> -> memref<625x96xf32, #tpu.memory_space<hbm>>
      %dma_wait3A_54 = arith.constant 0 : i32
      %dma_wait3A_55 = tpu.memref_slice %arg15[%mul3A_0, %dma_wait3A_54] : memref<10000x96xf32, #tpu.memory_space<vmem_shared>> -> memref<625x96xf32, #tpu.memory_space<vmem_shared>>
      tpu.wait_dma2 semaphore(%run_scoped3A : memref<!tpu.dma_semaphore, #tpu.memory_space<semaphore_mem>>) src(%dma_wait3A_55 : memref<625x96xf32, #tpu.memory_space<vmem_shared>>) dst(%dma_wait3A_53 : memref<625x96xf32, #tpu.memory_space<hbm>>)
      tpu.yield
    }) : () -> ()
    %barrier3A_46 = arith.constant 0 : index
    tpu.barrier barrier_id(%barrier3A_46)
    return
  }
}

module attributes {stable_mosaic.version = 14 : i64} {
  func.func @_pre_body(%arg0: i32, %arg1: memref<1000x128xf32, #tpu.memory_space<vmem>>, %arg2: memref<1000x128xf32, #tpu.memory_space<vmem>>, %arg3: memref<1000x128xf32, #tpu.memory_space<vmem>>, %arg4: memref<128x128xf32, #tpu.memory_space<vmem>>, %arg5: memref<1x128xf32, #tpu.memory_space<vmem>>, %arg6: memref<128x128xf32, #tpu.memory_space<vmem>>, %arg7: memref<1x128xf32, #tpu.memory_space<vmem>>, %arg8: memref<4x1000x96xf32, #tpu.memory_space<vmem>>) attributes {dimension_semantics = [#tpu.dimension_semantics<arbitrary>], iteration_bounds = array<i64: 10>, scalar_prefetch = 0 : i64, scratch_operands = 0 : i64, tpu.core_type = #tpu.core_type<tc>, window_params = [{transform_indices = @transform_0, window_bounds = array<i64: 1000, 128>}, {transform_indices = @transform_1, window_bounds = array<i64: 1000, 128>}, {transform_indices = @transform_2, window_bounds = array<i64: 1000, 128>}, {pipeline_mode = #tpu.pipeline_mode<synchronous>, transform_indices = @transform_3, window_bounds = array<i64: 128, 128>}, {pipeline_mode = #tpu.pipeline_mode<synchronous>, transform_indices = @transform_4, window_bounds = array<i64: 1, 128>}, {pipeline_mode = #tpu.pipeline_mode<synchronous>, transform_indices = @transform_5, window_bounds = array<i64: 128, 128>}, {pipeline_mode = #tpu.pipeline_mode<synchronous>, transform_indices = @transform_6, window_bounds = array<i64: 1, 128>}, {transform_indices = @transform_7, window_bounds = array<i64: 4, 1000, 96>}]} {
    %get3A = arith.constant 0 : index
    %get3A_0 = arith.constant 0 : index
    %get3A_1 = vector.load %arg2[%get3A, %get3A_0] : memref<1000x128xf32, #tpu.memory_space<vmem>>, vector<1000x128xf32>
    %mul3A = arith.mulf %get3A_1, %get3A_1 : vector<1000x128xf32>
    %reduce_sum3A = arith.constant dense<0.000000e+00> : vector<1000xf32>
    %reduce_sum3A_2 = vector.multi_reduction <add>, %mul3A, %reduce_sum3A [1] : vector<1000x128xf32> to vector<1000xf32>
    %broadcast_in_dim3A = vector.shape_cast %reduce_sum3A_2 : vector<1000xf32> to vector<1000x1xf32>
    %sqrt3A = math.sqrt %broadcast_in_dim3A : vector<1000x1xf32>
    %max3A = arith.constant 1.000000e-10 : f32
    %max3A_3 = vector.broadcast %max3A : f32 to vector<1000x1xf32>
    %max3A_4 = arith.maximumf %sqrt3A, %max3A_3 : vector<1000x1xf32>
    %min3A = arith.constant 0.999989986 : f32
    %min3A_5 = vector.broadcast %min3A : f32 to vector<1000x1xf32>
    %min3A_6 = arith.minimumf %sqrt3A, %min3A_5 : vector<1000x1xf32>
    %add3A = arith.constant 1.000000e+00 : f32
    %add3A_7 = vector.broadcast %add3A : f32 to vector<1000x1xf32>
    %add3A_8 = arith.addf %add3A_7, %min3A_6 : vector<1000x1xf32>
    %sub3A = arith.constant 1.000000e+00 : f32
    %sub3A_9 = vector.broadcast %sub3A : f32 to vector<1000x1xf32>
    %sub3A_10 = arith.subf %sub3A_9, %min3A_6 : vector<1000x1xf32>
    %div3A = arith.divf %add3A_8, %sub3A_10 : vector<1000x1xf32>
    %log3A = math.log %div3A : vector<1000x1xf32>
    %mul3A_11 = arith.constant 5.000000e-01 : f32
    %mul3A_12 = vector.broadcast %mul3A_11 : f32 to vector<1000x1xf32>
    %mul3A_13 = arith.mulf %mul3A_12, %log3A : vector<1000x1xf32>
    %mul3A_14 = vector.broadcast %mul3A_13 : vector<1000x1xf32> to vector<1000x128xf32>
    %mul3A_15 = arith.mulf %mul3A_14, %get3A_1 : vector<1000x128xf32>
    %div3A_16 = vector.broadcast %max3A_4 : vector<1000x1xf32> to vector<1000x128xf32>
    %div3A_17 = arith.divf %mul3A_15, %div3A_16 : vector<1000x128xf32>
    %get3A_18 = arith.constant 0 : index
    %get3A_19 = arith.constant 0 : index
    %get3A_20 = vector.load %arg4[%get3A_18, %get3A_19] : memref<128x128xf32, #tpu.memory_space<vmem>>, vector<128x128xf32>
    %dot_general3A = arith.constant dense<0.000000e+00> : vector<1000x128xf32>
    %dot_general3A_21 = tpu.matmul %div3A_17, %get3A_20, %dot_general3A {dimension_numbers = #tpu.dot_dimension_numbers<[1], [0], [0], [1], [0, 0, 1, 1], [], []>, transpose_lhs_hint = false} : vector<1000x128xf32>, vector<128x128xf32>, vector<1000x128xf32> -> vector<1000x128xf32>
    %get3A_22 = arith.constant 0 : index
    %get3A_23 = arith.constant 0 : index
    %get3A_24 = vector.load %arg5[%get3A_22, %get3A_23] : memref<1x128xf32, #tpu.memory_space<vmem>>, vector<1x128xf32>
    %add3A_25 = vector.broadcast %get3A_24 : vector<1x128xf32> to vector<1000x128xf32>
    %add3A_26 = arith.addf %dot_general3A_21, %add3A_25 : vector<1000x128xf32>
    %get3A_27 = arith.constant 0 : index
    %get3A_28 = arith.constant 0 : index
    %get3A_29 = vector.load %arg3[%get3A_27, %get3A_28] : memref<1000x128xf32, #tpu.memory_space<vmem>>, vector<1000x128xf32>
    %mul3A_30 = arith.mulf %get3A_29, %get3A_29 : vector<1000x128xf32>
    %reduce_sum3A_31 = arith.constant dense<0.000000e+00> : vector<1000xf32>
    %reduce_sum3A_32 = vector.multi_reduction <add>, %mul3A_30, %reduce_sum3A_31 [1] : vector<1000x128xf32> to vector<1000xf32>
    %broadcast_in_dim3A_33 = vector.shape_cast %reduce_sum3A_32 : vector<1000xf32> to vector<1000x1xf32>
    %sqrt3A_34 = math.sqrt %broadcast_in_dim3A_33 : vector<1000x1xf32>
    %max3A_35 = arith.constant 9.99999996E-13 : f32
    %max3A_36 = vector.broadcast %max3A_35 : f32 to vector<1000x1xf32>
    %max3A_37 = arith.maximumf %sqrt3A_34, %max3A_36 : vector<1000x1xf32>
    %div3A_38 = vector.broadcast %max3A_37 : vector<1000x1xf32> to vector<1000x128xf32>
    %div3A_39 = arith.divf %get3A_29, %div3A_38 : vector<1000x128xf32>
    %get3A_40 = arith.constant 0 : index
    %get3A_41 = arith.constant 0 : index
    %get3A_42 = vector.load %arg6[%get3A_40, %get3A_41] : memref<128x128xf32, #tpu.memory_space<vmem>>, vector<128x128xf32>
    %dot_general3A_43 = arith.constant dense<0.000000e+00> : vector<1000x128xf32>
    %dot_general3A_44 = tpu.matmul %div3A_39, %get3A_42, %dot_general3A_43 {dimension_numbers = #tpu.dot_dimension_numbers<[1], [0], [0], [1], [0, 0, 1, 1], [], []>, transpose_lhs_hint = false} : vector<1000x128xf32>, vector<128x128xf32>, vector<1000x128xf32> -> vector<1000x128xf32>
    %get3A_45 = arith.constant 0 : index
    %get3A_46 = arith.constant 0 : index
    %get3A_47 = vector.load %arg7[%get3A_45, %get3A_46] : memref<1x128xf32, #tpu.memory_space<vmem>>, vector<1x128xf32>
    %add3A_48 = vector.broadcast %get3A_47 : vector<1x128xf32> to vector<1000x128xf32>
    %add3A_49 = arith.addf %dot_general3A_44, %add3A_48 : vector<1000x128xf32>
    %get3A_50 = arith.constant 0 : index
    %get3A_51 = arith.constant 0 : index
    %get3A_52 = vector.load %arg1[%get3A_50, %get3A_51] : memref<1000x128xf32, #tpu.memory_space<vmem>>, vector<1000x128xf32>
    %slice3A = vector.extract_strided_slice %get3A_52 {offsets = [0, 0], sizes = [1000, 96], strides = [1, 1]} : vector<1000x128xf32> to vector<1000x96xf32>
    %swap3A = arith.constant 0 : index
    %swap3A_53 = arith.constant 0 : index
    %swap3A_54 = arith.constant 0 : index
    %swap3A_55 = vector.load %arg8[%swap3A, %swap3A_53, %swap3A_54] : memref<4x1000x96xf32, #tpu.memory_space<vmem>>, vector<1x1000x96xf32>
    %swap3A_56 = vector.shape_cast %swap3A_55 : vector<1x1000x96xf32> to vector<1000x96xf32>
    %swap3A_57 = vector.shape_cast %slice3A : vector<1000x96xf32> to vector<1x1000x96xf32>
    tpu.vector_store %arg8[%swap3A, %swap3A_53, %swap3A_54], %swap3A_57 {strides = array<i32>} : memref<4x1000x96xf32, #tpu.memory_space<vmem>>, vector<1x1000x96xf32>,
    %slice3A_58 = vector.extract_strided_slice %get3A_52 {offsets = [0, 96], sizes = [1000, 32], strides = [1, 1]} : vector<1000x128xf32> to vector<1000x32xf32>
    %slice3A_59 = vector.extract_strided_slice %add3A_26 {offsets = [0, 0], sizes = [1000, 64], strides = [1, 1]} : vector<1000x128xf32> to vector<1000x64xf32>
    %concatenate3A = tpu.concatenate %slice3A_58, %slice3A_59 in 1 : vector<1000x32xf32>, vector<1000x64xf32> -> vector<1000x96xf32>
    %swap3A_60 = arith.constant 1 : index
    %swap3A_61 = arith.constant 0 : index
    %swap3A_62 = arith.constant 0 : index
    %swap3A_63 = vector.load %arg8[%swap3A_60, %swap3A_61, %swap3A_62] : memref<4x1000x96xf32, #tpu.memory_space<vmem>>, vector<1x1000x96xf32>
    %swap3A_64 = vector.shape_cast %swap3A_63 : vector<1x1000x96xf32> to vector<1000x96xf32>
    %swap3A_65 = vector.shape_cast %concatenate3A : vector<1000x96xf32> to vector<1x1000x96xf32>
    tpu.vector_store %arg8[%swap3A_60, %swap3A_61, %swap3A_62], %swap3A_65 {strides = array<i32>} : memref<4x1000x96xf32, #tpu.memory_space<vmem>>, vector<1x1000x96xf32>,
    %slice3A_66 = vector.extract_strided_slice %add3A_26 {offsets = [0, 64], sizes = [1000, 64], strides = [1, 1]} : vector<1000x128xf32> to vector<1000x64xf32>
    %slice3A_67 = vector.extract_strided_slice %add3A_49 {offsets = [0, 0], sizes = [1000, 32], strides = [1, 1]} : vector<1000x128xf32> to vector<1000x32xf32>
    %concatenate3A_68 = tpu.concatenate %slice3A_66, %slice3A_67 in 1 : vector<1000x64xf32>, vector<1000x32xf32> -> vector<1000x96xf32>
    %swap3A_69 = arith.constant 2 : index
    %swap3A_70 = arith.constant 0 : index
    %swap3A_71 = arith.constant 0 : index
    %swap3A_72 = vector.load %arg8[%swap3A_69, %swap3A_70, %swap3A_71] : memref<4x1000x96xf32, #tpu.memory_space<vmem>>, vector<1x1000x96xf32>
    %swap3A_73 = vector.shape_cast %swap3A_72 : vector<1x1000x96xf32> to vector<1000x96xf32>
    %swap3A_74 = vector.shape_cast %concatenate3A_68 : vector<1000x96xf32> to vector<1x1000x96xf32>
    tpu.vector_store %arg8[%swap3A_69, %swap3A_70, %swap3A_71], %swap3A_74 {strides = array<i32>} : memref<4x1000x96xf32, #tpu.memory_space<vmem>>, vector<1x1000x96xf32>,
    %slice3A_75 = vector.extract_strided_slice %add3A_49 {offsets = [0, 32], sizes = [1000, 96], strides = [1, 1]} : vector<1000x128xf32> to vector<1000x96xf32>
    %swap3A_76 = arith.constant 3 : index
    %swap3A_77 = arith.constant 0 : index
    %swap3A_78 = arith.constant 0 : index
    %swap3A_79 = vector.load %arg8[%swap3A_76, %swap3A_77, %swap3A_78] : memref<4x1000x96xf32, #tpu.memory_space<vmem>>, vector<1x1000x96xf32>
    %swap3A_80 = vector.shape_cast %swap3A_79 : vector<1x1000x96xf32> to vector<1000x96xf32>
    %swap3A_81 = vector.shape_cast %slice3A_75 : vector<1000x96xf32> to vector<1x1000x96xf32>
    tpu.vector_store %arg8[%swap3A_76, %swap3A_77, %swap3A_78], %swap3A_81 {strides = array<i32>} : memref<4x1000x96xf32, #tpu.memory_space<vmem>>, vector<1x1000x96xf32>,
    return
  }
  func.func @transform_0(%arg0: i32) -> (i32, i32) {
    %c0_i32 = arith.constant 0 : i32
    %c0_i32_0 = arith.constant 0 : i32
    return %arg0, %c0_i32 : i32, i32
  }
  func.func @transform_1(%arg0: i32) -> (i32, i32) {
    %c0_i32 = arith.constant 0 : i32
    %c0_i32_0 = arith.constant 0 : i32
    return %arg0, %c0_i32 : i32, i32
  }
  func.func @transform_2(%arg0: i32) -> (i32, i32) {
    %c0_i32 = arith.constant 0 : i32
    %c0_i32_0 = arith.constant 0 : i32
    return %arg0, %c0_i32 : i32, i32
  }
  func.func @transform_3(%arg0: i32) -> (i32, i32) {
    %c0_i32 = arith.constant 0 : i32
    %c0_i32_0 = arith.constant 0 : i32
    %c0_i32_1 = arith.constant 0 : i32
    return %c0_i32, %c0_i32_0 : i32, i32
  }
  func.func @transform_4(%arg0: i32) -> (i32, i32) {
    %c0_i32 = arith.constant 0 : i32
    %c0_i32_0 = arith.constant 0 : i32
    %c0_i32_1 = arith.constant 0 : i32
    return %c0_i32, %c0_i32_0 : i32, i32
  }
  func.func @transform_5(%arg0: i32) -> (i32, i32) {
    %c0_i32 = arith.constant 0 : i32
    %c0_i32_0 = arith.constant 0 : i32
    %c0_i32_1 = arith.constant 0 : i32
    return %c0_i32, %c0_i32_0 : i32, i32
  }
  func.func @transform_6(%arg0: i32) -> (i32, i32) {
    %c0_i32 = arith.constant 0 : i32
    %c0_i32_0 = arith.constant 0 : i32
    %c0_i32_1 = arith.constant 0 : i32
    return %c0_i32, %c0_i32_0 : i32, i32
  }
  func.func @transform_7(%arg0: i32) -> (i32, i32, i32) {
    %c0_i32 = arith.constant 0 : i32
    %c0_i32_0 = arith.constant 0 : i32
    %c0_i32_1 = arith.constant 0 : i32
    return %c0_i32, %arg0, %c0_i32_0 : i32, i32, i32
  }
}

module attributes {stable_mosaic.version = 14 : i64} {
  func.func @_post_body(%arg0: i32, %arg1: memref<4x1000x96xf32, #tpu.memory_space<vmem>>, %arg2: memref<1000x16xf32, #tpu.memory_space<vmem>>, %arg3: memref<128x128xf32, #tpu.memory_space<vmem>>, %arg4: memref<1x128xf32, #tpu.memory_space<vmem>>, %arg5: memref<1000x128xf32, #tpu.memory_space<vmem>>, %arg6: memref<1000x128xf32, #tpu.memory_space<vmem>>, %arg7: memref<1000x128xf32, #tpu.memory_space<vmem>>) attributes {dimension_semantics = [#tpu.dimension_semantics<arbitrary>], iteration_bounds = array<i64: 10>, scalar_prefetch = 0 : i64, scratch_operands = 0 : i64, tpu.core_type = #tpu.core_type<tc>, window_params = [{transform_indices = @transform_0, window_bounds = array<i64: 4, 1000, 96>}, {transform_indices = @transform_1, window_bounds = array<i64: 1000, 16>}, {pipeline_mode = #tpu.pipeline_mode<synchronous>, transform_indices = @transform_2, window_bounds = array<i64: 128, 128>}, {pipeline_mode = #tpu.pipeline_mode<synchronous>, transform_indices = @transform_3, window_bounds = array<i64: 1, 128>}, {transform_indices = @transform_4, window_bounds = array<i64: 1000, 128>}, {transform_indices = @transform_5, window_bounds = array<i64: 1000, 128>}, {transform_indices = @transform_6, window_bounds = array<i64: 1000, 128>}]} {
    %get3A = arith.constant 0 : index
    %get3A_0 = arith.constant 0 : index
    %get3A_1 = vector.load %arg2[%get3A, %get3A_0] : memref<1000x16xf32, #tpu.memory_space<vmem>>, vector<1000x16xf32>
    %slice3A = vector.extract_strided_slice %get3A_1 {offsets = [0, 0], sizes = [1000, 1], strides = [1, 1]} : vector<1000x16xf32> to vector<1000x1xf32>
    %max3A = arith.constant 1.000000e+00 : f32
    %max3A_2 = vector.broadcast %max3A : f32 to vector<1000x1xf32>
    %max3A_3 = arith.maximumf %slice3A, %max3A_2 : vector<1000x1xf32>
    %get3A_4 = arith.constant 0 : index
    %get3A_5 = arith.constant 0 : index
    %get3A_6 = arith.constant 0 : index
    %get3A_7 = vector.load %arg1[%get3A_4, %get3A_5, %get3A_6] : memref<4x1000x96xf32, #tpu.memory_space<vmem>>, vector<1x1000x96xf32>
    %get3A_8 = vector.shape_cast %get3A_7 : vector<1x1000x96xf32> to vector<1000x96xf32>
    %get3A_9 = arith.constant 1 : index
    %get3A_10 = arith.constant 0 : index
    %get3A_11 = arith.constant 0 : index
    %get3A_12 = vector.load %arg1[%get3A_9, %get3A_10, %get3A_11] : memref<4x1000x96xf32, #tpu.memory_space<vmem>>, vector<1x1000x96xf32>
    %get3A_13 = vector.shape_cast %get3A_12 : vector<1x1000x96xf32> to vector<1000x96xf32>
    %get3A_14 = arith.constant 2 : index
    %get3A_15 = arith.constant 0 : index
    %get3A_16 = arith.constant 0 : index
    %get3A_17 = vector.load %arg1[%get3A_14, %get3A_15, %get3A_16] : memref<4x1000x96xf32, #tpu.memory_space<vmem>>, vector<1x1000x96xf32>
    %get3A_18 = vector.shape_cast %get3A_17 : vector<1x1000x96xf32> to vector<1000x96xf32>
    %get3A_19 = arith.constant 3 : index
    %get3A_20 = arith.constant 0 : index
    %get3A_21 = arith.constant 0 : index
    %get3A_22 = vector.load %arg1[%get3A_19, %get3A_20, %get3A_21] : memref<4x1000x96xf32, #tpu.memory_space<vmem>>, vector<1x1000x96xf32>
    %get3A_23 = vector.shape_cast %get3A_22 : vector<1x1000x96xf32> to vector<1000x96xf32>
    %slice3A_24 = vector.extract_strided_slice %get3A_13 {offsets = [0, 0], sizes = [1000, 32], strides = [1, 1]} : vector<1000x96xf32> to vector<1000x32xf32>
    %concatenate3A = tpu.concatenate %get3A_8, %slice3A_24 in 1 : vector<1000x96xf32>, vector<1000x32xf32> -> vector<1000x128xf32>
    %div3A = vector.broadcast %max3A_3 : vector<1000x1xf32> to vector<1000x128xf32>
    %div3A_25 = arith.divf %concatenate3A, %div3A : vector<1000x128xf32>
    %get3A_26 = arith.constant 0 : index
    %get3A_27 = arith.constant 0 : index
    %get3A_28 = vector.load %arg3[%get3A_26, %get3A_27] : memref<128x128xf32, #tpu.memory_space<vmem>>, vector<128x128xf32>
    %dot_general3A = arith.constant dense<0.000000e+00> : vector<1000x128xf32>
    %dot_general3A_29 = tpu.matmul %div3A_25, %get3A_28, %dot_general3A {dimension_numbers = #tpu.dot_dimension_numbers<[1], [0], [0], [1], [0, 0, 1, 1], [], []>, transpose_lhs_hint = false} : vector<1000x128xf32>, vector<128x128xf32>, vector<1000x128xf32> -> vector<1000x128xf32>
    %get3A_30 = arith.constant 0 : index
    %get3A_31 = arith.constant 0 : index
    %get3A_32 = vector.load %arg4[%get3A_30, %get3A_31] : memref<1x128xf32, #tpu.memory_space<vmem>>, vector<1x128xf32>
    %add3A = vector.broadcast %get3A_32 : vector<1x128xf32> to vector<1000x128xf32>
    %add3A_33 = arith.addf %dot_general3A_29, %add3A : vector<1000x128xf32>
    %ge3A = arith.constant 0.000000e+00 : f32
    %ge3A_34 = vector.broadcast %ge3A : f32 to vector<1000x128xf32>
    %ge3A_35 = arith.cmpf oge, %add3A_33, %ge3A_34 : vector<1000x128xf32>
    %mul3A = arith.constant 2.000000e-01 : f32
    %mul3A_36 = vector.broadcast %mul3A : f32 to vector<1000x128xf32>
    %mul3A_37 = arith.mulf %mul3A_36, %add3A_33 : vector<1000x128xf32>
    %select_n3A = arith.select %ge3A_35, %add3A_33, %mul3A_37 : vector<1000x128xi1>, vector<1000x128xf32>
    %swap3A = arith.constant 0 : index
    %swap3A_38 = arith.constant 0 : index
    %swap3A_39 = vector.load %arg5[%swap3A, %swap3A_38] : memref<1000x128xf32, #tpu.memory_space<vmem>>, vector<1000x128xf32>
    tpu.vector_store %arg5[%swap3A, %swap3A_38], %select_n3A {strides = array<i32>} : memref<1000x128xf32, #tpu.memory_space<vmem>>, vector<1000x128xf32>,
    %slice3A_40 = vector.extract_strided_slice %get3A_13 {offsets = [0, 32], sizes = [1000, 64], strides = [1, 1]} : vector<1000x96xf32> to vector<1000x64xf32>
    %slice3A_41 = vector.extract_strided_slice %get3A_18 {offsets = [0, 0], sizes = [1000, 64], strides = [1, 1]} : vector<1000x96xf32> to vector<1000x64xf32>
    %concatenate3A_42 = tpu.concatenate %slice3A_40, %slice3A_41 in 1 : vector<1000x64xf32>, vector<1000x64xf32> -> vector<1000x128xf32>
    %div3A_43 = vector.broadcast %max3A_3 : vector<1000x1xf32> to vector<1000x128xf32>
    %div3A_44 = arith.divf %concatenate3A_42, %div3A_43 : vector<1000x128xf32>
    %mul3A_45 = arith.mulf %div3A_44, %div3A_44 : vector<1000x128xf32>
    %reduce_sum3A = arith.constant dense<0.000000e+00> : vector<1000xf32>
    %reduce_sum3A_46 = vector.multi_reduction <add>, %mul3A_45, %reduce_sum3A [1] : vector<1000x128xf32> to vector<1000xf32>
    %broadcast_in_dim3A = vector.shape_cast %reduce_sum3A_46 : vector<1000xf32> to vector<1000x1xf32>
    %sqrt3A = math.sqrt %broadcast_in_dim3A : vector<1000x1xf32>
    %max3A_47 = arith.constant 1.000000e-10 : f32
    %max3A_48 = vector.broadcast %max3A_47 : f32 to vector<1000x1xf32>
    %max3A_49 = arith.maximumf %sqrt3A, %max3A_48 : vector<1000x1xf32>
    %tanh3A = math.tanh %sqrt3A : vector<1000x1xf32>
    %mul3A_50 = vector.broadcast %tanh3A : vector<1000x1xf32> to vector<1000x128xf32>
    %mul3A_51 = arith.mulf %mul3A_50, %div3A_44 : vector<1000x128xf32>
    %div3A_52 = vector.broadcast %max3A_49 : vector<1000x1xf32> to vector<1000x128xf32>
    %div3A_53 = arith.divf %mul3A_51, %div3A_52 : vector<1000x128xf32>
    %swap3A_54 = arith.constant 0 : index
    %swap3A_55 = arith.constant 0 : index
    %swap3A_56 = vector.load %arg6[%swap3A_54, %swap3A_55] : memref<1000x128xf32, #tpu.memory_space<vmem>>, vector<1000x128xf32>
    tpu.vector_store %arg6[%swap3A_54, %swap3A_55], %div3A_53 {strides = array<i32>} : memref<1000x128xf32, #tpu.memory_space<vmem>>, vector<1000x128xf32>,
    %slice3A_57 = vector.extract_strided_slice %get3A_18 {offsets = [0, 64], sizes = [1000, 32], strides = [1, 1]} : vector<1000x96xf32> to vector<1000x32xf32>
    %concatenate3A_58 = tpu.concatenate %slice3A_57, %get3A_23 in 1 : vector<1000x32xf32>, vector<1000x96xf32> -> vector<1000x128xf32>
    %div3A_59 = vector.broadcast %max3A_3 : vector<1000x1xf32> to vector<1000x128xf32>
    %div3A_60 = arith.divf %concatenate3A_58, %div3A_59 : vector<1000x128xf32>
    %mul3A_61 = arith.mulf %div3A_60, %div3A_60 : vector<1000x128xf32>
    %reduce_sum3A_62 = arith.constant dense<0.000000e+00> : vector<1000xf32>
    %reduce_sum3A_63 = vector.multi_reduction <add>, %mul3A_61, %reduce_sum3A_62 [1] : vector<1000x128xf32> to vector<1000xf32>
    %broadcast_in_dim3A_64 = vector.shape_cast %reduce_sum3A_63 : vector<1000xf32> to vector<1000x1xf32>
    %sqrt3A_65 = math.sqrt %broadcast_in_dim3A_64 : vector<1000x1xf32>
    %max3A_66 = arith.constant 9.99999996E-13 : f32
    %max3A_67 = vector.broadcast %max3A_66 : f32 to vector<1000x1xf32>
    %max3A_68 = arith.maximumf %sqrt3A_65, %max3A_67 : vector<1000x1xf32>
    %div3A_69 = vector.broadcast %max3A_68 : vector<1000x1xf32> to vector<1000x128xf32>
    %div3A_70 = arith.divf %div3A_60, %div3A_69 : vector<1000x128xf32>
    %swap3A_71 = arith.constant 0 : index
    %swap3A_72 = arith.constant 0 : index
    %swap3A_73 = vector.load %arg7[%swap3A_71, %swap3A_72] : memref<1000x128xf32, #tpu.memory_space<vmem>>, vector<1000x128xf32>
    tpu.vector_store %arg7[%swap3A_71, %swap3A_72], %div3A_70 {strides = array<i32>} : memref<1000x128xf32, #tpu.memory_space<vmem>>, vector<1000x128xf32>,
    return
  }
  func.func @transform_0(%arg0: i32) -> (i32, i32, i32) {
    %c0_i32 = arith.constant 0 : i32
    %c0_i32_0 = arith.constant 0 : i32
    %c0_i32_1 = arith.constant 0 : i32
    return %c0_i32, %arg0, %c0_i32_0 : i32, i32, i32
  }
  func.func @transform_1(%arg0: i32) -> (i32, i32) {
    %c0_i32 = arith.constant 0 : i32
    %c0_i32_0 = arith.constant 0 : i32
    return %arg0, %c0_i32 : i32, i32
  }
  func.func @transform_2(%arg0: i32) -> (i32, i32) {
    %c0_i32 = arith.constant 0 : i32
    %c0_i32_0 = arith.constant 0 : i32
    %c0_i32_1 = arith.constant 0 : i32
    return %c0_i32, %c0_i32_0 : i32, i32
  }
  func.func @transform_3(%arg0: i32) -> (i32, i32) {
    %c0_i32 = arith.constant 0 : i32
    %c0_i32_0 = arith.constant 0 : i32
    %c0_i32_1 = arith.constant 0 : i32
    return %c0_i32, %c0_i32_0 : i32, i32
  }
  func.func @transform_4(%arg0: i32) -> (i32, i32) {
    %c0_i32 = arith.constant 0 : i32
    %c0_i32_0 = arith.constant 0 : i32
    return %arg0, %c0_i32 : i32, i32
  }
  func.func @transform_5(%arg0: i32) -> (i32, i32) {
    %c0_i32 = arith.constant 0 : i32
    %c0_i32_0 = arith.constant 0 : i32
    return %arg0, %c0_i32 : i32, i32
  }
  func.func @transform_6(%arg0: i32) -> (i32, i32) {
    %c0_i32 = arith.constant 0 : i32
    %c0_i32_0 = arith.constant 0 : i32
    return %arg0, %c0_i32 : i32, i32
  }
}

</mosaic_0001>

<sc_bundles>
// kernel: kernel.5.cloned.1.call-start
scs
__scs_entry_jumppad:
0x0: {  	(pc) =	sbr.rel $0x88, $3  }
0x1: {  	(tag) =	ssettag $0x0;
	lr =	simm.s32 $0x1  }
0x2: {  	[smem:$0x3F97] =	sst lr;
	_ =	strace $0xD0000000  }
0x3: {  	_ = 	snop  }
0x4: {  	_ = 	snop  }
0x5: {  	_ = 	snop  }
0x6: {  	_ = 	snop  }
0x7: {  	_ = 	snop  }
__scs_overlays_trampoline_lowered:
0x8: {  	[smem:$0x3FA6] =	sst s0  }
0x9: {  	[smem:$0x3FA7] =	sst s1  }
0xa: {  	[smem:$0x3FA8] =	sst s2  }
0xb: {  	[smem:$0x3FA9] =	sst s3  }
0xc: {  	[smem:$0x3FAA] =	sst s4  }
0xd: {  	[smem:$0x3FAB] =	sst s5  }
0xe: {  	[smem:$0x3FAC] =	sst s6  }
0xf: {  	[smem:$0x3FAD] =	sst s7  }
0x10: {  	[smem:$0x3FAE] =	sst s8  }
0x11: {  	[smem:$0x3FAF] =	sst s9;
	s0 =	simm.s32 @!p0 $0x0  }
0x12: {  	s1 =	sld [smem:$0x3F95];
	s0 =	simm.s32 @p0 $0x1  }
0x13: {  	[smem:$0x3FB0] =	sst s0;
	s0 =	simm.s32 @!p1 $0x0  }
0x14: {  	s2 =	sld [smem:$0x3F94];
	s0 =	simm.s32 @p1 $0x1  }
0x15: {  	[smem:$0x3FB1] =	sst s0;
	s0 =	simm.s32 @!p2 $0x0  }
0x16: {  	s3 =	sld [smem:$0x3FDB];
	s0 =	simm.s32 @p2 $0x1  }
0x17: {  	s4 =	simm.s32 $0x1BF5;
	[smem:$0x3FB3] =	sst s0  }
0x18: {  	s0 =	sld [smem:$0x3F96];
	_ =	swait.ge [sflag:s4], $0x0  }
0x19: {  	s7 =	sld [smem:$0x3F97]  }
0x1a: {  	s8 =	sadd.s32 $0xFFFFE003, lr  }
0x1b: {  	s9 =	sadd.s32 $0xFFFFFEF7, lr;
	s5 =	simm.s32 $0xFFFFFFFF;
	p2 =	slt.u32 s8, $0xFFFFF086  }
0x1c: {  	p1 =	slt.u32 s9, $0xF7A;
	s5 =	simm.s32 @!p2 $0x0  }
0x1d: {  	s5 =	simm.s32 @p1 $0x1;
	p0 =	seq.s32 s7, s2  }
0x1e: {  	s7 =	smul.u32 @!p0 $0xF7A, s2;
	p2 =	seq.s32 @!p0 s5, $0x0  }
0x1f: {  	s9 =	smul.u32 $0xF7A, s1;
	s8 =	simm.s32 @!p0 $0x1BF5;
	p2 =	por !p2, p0  }
0x20: {  	[sflag:s8] =	ssyncset.s32 @!p0 $0xFFFFF086;
	s6 =	sadd.s32 @!p0 s3, s7;
	s7 =	simm.s32 @!p0 $0x108  }
0x21: {  	s3 =	sadd.s32 s3, s9;
	s6 =	sadd.s32 @!p0 $0x88, s6;
	s7 =	simm.s32 @p2 $0x1082  }
0x22: {  	[simem:s7], [sflag:s8] =	dma.local @!p0 [hbm:s6], $0xF7A  }
0x23: {  	s9 =	sor.u32 $0xD0000000, s2;
	s6 =	simm.s32 $0x108;
	_ =	swait.ge @!p0 [sflag:s8], $0x0  }
0x24: {  	s3 =	sadd.s32 $0x88, s3;
	s6 =	simm.s32 @!p1 $0x1082;
	[sflag:s4] =	ssyncset.s32 $0xFFFFF086  }
0x25: {  	[simem:s6], [sflag:s4] =	dma.local [hbm:s3], $0xF7A  }
0x26: {  	[smem:$0x3F97] =	sst s1;
	(tag) =	ssettag s2;
	_ =	strace s9  }
0x27: {  	s1 =	sld [smem:$0x3FA7]  }
0x28: {  	s2 =	sld [smem:$0x3FA8]  }
0x29: {  	s4 =	sld [smem:$0x3FAA]  }
0x2a: {  	p0 =	seq.s32 s5, $0x0;
	s5 =	sld [smem:$0x3FAB]  }
0x2b: {  	s6 =	sld [smem:$0x3FAC]  }
0x2c: {  	s7 =	sld [smem:$0x3FAD]  }
0x2d: {  	s3 =	simm.s32 $0x108;
	s8 =	sld [smem:$0x3FAE]  }
0x2e: {  	s3 =	simm.s32 @!p0 $0x1082;
	s9 =	sld [smem:$0x3FAF]  }
0x2f: {  	lr =	sadd.s32 s0, s3;
	s0 =	sld [smem:$0x3FA6]  }
0x30: {  	s3 =	sld [smem:$0x3FA9]  }
0x31: {  	[smem:$0x3FB2] =	sst s10  }
0x32: {  	s10 =	sld [smem:$0x3FB0];
	_ =	sdelay $0x3  }
0x33: {  	p0 =	seq.s32 s10, $0x1;
	s10 =	sld [smem:$0x3FB2];
	_ =	sdelay $0x3  }
0x34: {  	[smem:$0x3FB2] =	sst s10  }
0x35: {  	s10 =	sld [smem:$0x3FB1];
	_ =	sdelay $0x3  }
0x36: {  	p1 =	seq.s32 s10, $0x1;
	s10 =	sld [smem:$0x3FB2];
	_ =	sdelay $0x3  }
0x37: {  	[smem:$0x3FB2] =	sst s10  }
0x38: {  	s10 =	sld [smem:$0x3FB3]  }
0x39: {  	_ = 	snop;
	(pc) =	sbr.ind lr, $3  }
0x3a: {  	_ = 	snop  }
0x3b: {  	_ = 	snop  }
0x3c: {  	p2 =	seq.s32 s10, $0x1;
	s10 =	sld [smem:$0x3FB2]  }
0x3d: {  	_ =	shalt  }
0x3e: {  	_ =	shalt  }
0x3f: {  	_ =	shalt  }
0x40: {  	_ =	shalt  }
0x41: {  	_ =	shalt  }
0x42: {  	_ =	shalt  }
0x43: {  	_ =	shalt  }
0x44: {  	_ =	shalt  }
0x45: {  	_ =	shalt  }
0x46: {  	_ =	shalt  }
0x47: {  	_ =	shalt  }
0x48: {  	_ =	shalt  }
0x49: {  	_ =	shalt  }
0x4a: {  	_ =	shalt  }
0x4b: {  	_ =	shalt  }
0x4c: {  	_ =	shalt  }
0x4d: {  	_ =	shalt  }
0x4e: {  	_ =	shalt  }
0x4f: {  	_ =	shalt  }
0x50: {  	_ =	shalt  }
0x51: {  	_ =	shalt  }
0x52: {  	_ =	shalt  }
0x53: {  	_ =	shalt  }
0x54: {  	_ =	shalt  }
0x55: {  	_ =	shalt  }
0x56: {  	_ =	shalt  }
0x57: {  	_ =	shalt  }
0x58: {  	_ =	shalt  }
0x59: {  	_ =	shalt  }
0x5a: {  	_ =	shalt  }
0x5b: {  	_ =	shalt  }
0x5c: {  	_ =	shalt  }
0x5d: {  	_ =	shalt  }
0x5e: {  	_ =	shalt  }
0x5f: {  	_ =	shalt  }
0x60: {  	_ =	shalt  }
0x61: {  	_ =	shalt  }
0x62: {  	_ =	shalt  }
0x63: {  	_ =	shalt  }
0x64: {  	_ =	shalt  }
0x65: {  	_ =	shalt  }
0x66: {  	_ =	shalt  }
0x67: {  	_ =	shalt  }
0x68: {  	_ =	shalt  }
0x69: {  	_ =	shalt  }
0x6a: {  	_ =	shalt  }
0x6b: {  	_ =	shalt  }
0x6c: {  	_ =	shalt  }
0x6d: {  	_ =	shalt  }
0x6e: {  	_ =	shalt  }
0x6f: {  	_ =	shalt  }
0x70: {  	_ =	shalt  }
0x71: {  	_ =	shalt  }
0x72: {  	_ =	shalt  }
0x73: {  	_ =	shalt  }
0x74: {  	_ =	shalt  }
0x75: {  	_ =	shalt  }
0x76: {  	_ =	shalt  }
0x77: {  	_ =	shalt  }
0x78: {  	_ =	shalt  }
0x79: {  	_ =	shalt  }
0x7a: {  	_ =	shalt  }
0x7b: {  	_ =	shalt  }
0x7c: {  	_ =	shalt  }
0x7d: {  	_ =	shalt  }
0x7e: {  	_ =	shalt  }
0x7f: {  	_ =	shalt  }
0x80: {  	_ =	shalt  }
0x81: {  	_ =	shalt  }
0x82: {  	_ =	shalt  }
0x83: {  	_ =	shalt  }
0x84: {  	_ =	shalt  }
0x85: {  	_ =	shalt  }
0x86: {  	_ =	shalt  }
0x87: {  	_ =	shalt  }
.Lfunc_end0:
.L_simem_size_0:
called_computation_lowered:
.L_overlay_start_0:
0x88: {  	s2 =	sld [smem:$0x3FD9]  }
0x89: {  	s3 =	sld [smem:$0x3FFE];
	_ =	sdelay $0x1  }
0x8a: {  	s1 =	srdreg.scid  }
0x8b: {  	s0 =	sand.u32 $0x1, s1  }
0x8c: {  	s14 =	sshll.u32 s0, $0xA;
	s2 =	sadd.s32 s3, s2  }
0x8d: {  	s2 =	sadd.s32 s2, s14  }
0x8e: {  	[smem:$0x3FBE] =	sst s2  }
0x8f: {  	_ = 	snop  }
0x90: {  	s2 =	sld [smem:$0x3FD0];
	_ =	sdelay $0x2  }
0x91: {  	s15 =	simm.s32 $0xA;
	s4 =	simm.s32 $0x10  }
0x92: {  	[smem:s4], [sflag:s15] =	dma.local [hbm:s2], $0x1  }
0x93: {  	_ =	swait.eq [sflag:s15], $0x1  }
0x94: {  	s16 =	sld [smem:$0x10];
	[sflag:s15] =	ssyncset.done $0x0  }
0x95: {  	s17 =	sld [smem:$0x11];
	[sflag:s15] =	ssyncadd.s32 $0xFFFFFFFF  }
0x96: {  	s18 =	sld [smem:$0x12];
	(tm) =	ssettm $0x1  }
0x97: {  	s5 =	sld [smem:$0x3FFB];
	_ =	sdelay $0x3  }
0x98: {  	_ =	strace s5  }
0x99: {  	s5 =	sld [smem:$0x3FFC];
	_ =	sdelay $0x3  }
0x9a: {  	_ =	strace s5  }
0x9b: {  	s5 =	sld [smem:$0x3FFD];
	_ =	sdelay $0x3  }
0x9c: {  	_ =	strace s5  }
0x9d: {  	_ =	strace $0x8FFFFFFF  }
0x9e: {  	s19 =	sld [smem:$0x3FDB];
	_ =	sdelay $0x1  }
0x9f: {  	s6 =	simm.s32 $_scs_section_size  }
0xa0: {  	s7 =	simm.s32 $_size__tile_overlayer_lowered;
	s8 =	simm.s32 $_tile_overlayer_lowered  }
0xa1: {  	s22 =	simm.s32 $0x1BFF;
	s21 =	sshll.u32 s8, $0x1;
	s5 =	sadd.s32 s6, s19  }
0xa2: {  	s9 =	simm.s32 $0x0;
	s20 =	sshll.u32 s7, $0x1;
	s7 =	sadd.s32 s21, s5  }
0xa3: {  	[timem:s9], [sflag:s22] =	dma.local [hbm:s7], s20  }
0xa4: {  	_ =	swait.ge [sflag:s22], s20  }
0xa5: {  	s6 =	ssub.s32 $0x0, s20;
	[sflag:s22] =	ssyncset.done $0x0  }
0xa6: {  	[sflag:s22] =	ssyncadd.s32 s6;
	_ =	sdelay $0x1  }
0xa7: {  	s23 =	simm.s32 $0x1B8B  }
0xa8: {  	_ =	swait.ge [sflag:s23], $0x1  }
0xa9: {  	[sflag:s23] =	ssyncset.done $0x0  }
0xaa: {  	s25 =	simm.s32 $0x1B8E;
	s24 =	sld [smem:$0x3FFE];
	[sflag:s23] =	ssyncadd.s32 $0xFFFFFFFF  }
0xab: {  	s26 =	simm.s32 $execute0_lowered;
	[smem:$0x3FD2] =	sst s25  }
0xac: {  	s7 =	sshll.u32 s26, $0x1;
	_ =	strace $0x80000046;
	[dreg:$0x1] =	wrdreg $0xFFFFFFFF  }
0xad: {  	s28 =	simm.s32 $_size_execute0_lowered;
	s5 =	sadd.s32 s5, s7;
	[dreg:$0x0] =	wrdreg $0x0  }
0xae: {  	s7 =	sshll.u32 s28, $0x1;
	[dreg:$0x2] =	wrdreg s5  }
0xaf: {  	[dreg:$0x3] =	wrdreg s7  }
0xb0: {  	[dreg:$0x4] =	wrdreg $0xC0  }
0xb1: {  	_ =	task [dreg:s9], $0x5FFFF  }
0xb2: {  	[dreg:$0x1] =	wrdreg $0xFFFFFFFF  }
0xb3: {  	[dreg:$0x0] =	wrdreg $0x60  }
0xb4: {  	[dreg:$0x2] =	wrdreg s24  }
0xb5: {  	[dreg:$0x3] =	wrdreg s18  }
0xb6: {  	[dreg:$0x4] =	wrdreg s16  }
0xb7: {  	[dreg:$0x5] =	wrdreg s17  }
0xb8: {  	[dreg:$0x6] =	wrdreg $0xDD400  }
0xb9: {  	[dreg:$0x7] =	wrdreg $0x1C7A00  }
0xba: {  	[dreg:$0x8] =	wrdreg $0x9  }
0xbb: {  	_ =	task.clear_ibuf [dreg:s9], $0x9FFFF;
	_ =	strace $0x90000046  }
0xbc: {  	s29 =	simm.s32 $0x9;
	_ =	strace $0x80000048  }
0xbd: {  	_ =	swait.ge [sflag:s29], $0x1  }
0xbe: {  	[sflag:s29] =	ssyncadd.s32 $0xFFFFFFFF  }
0xbf: {  	_ =	strace $0x90000048  }
0xc0: {  	_ =	sfence  }
0xc1: {  	s30 =	sld [smem:$0x0];
	_ =	sdelay $0x2  }
0xc2: {  	s31 =	sshll.u32 s1, $0xD;
	s1 =	sshrl.u32 s1, $0x2  }
0xc3: {  	s3 =	sand.u32 $0x4000, s31;
	s1 =	sadd.s32 s1, s30  }
0xc4: {  	s0 =	sor.u32 s3, s0;
	s1 =	sshll.u32 s1, $0x11  }
0xc5: {  	s0 =	sor.u32 s1, s0  }
0xc6: {  	s0 =	sadd.s32 $0x8F2B, s0  }
0xc7: {  	[sflag:s0] =	ssyncadd.remote.s32 $0x1  }
0xc8: {  	_ =	sfence.sel $0xFFFF  }
0xc9: {  	[dreg:$0x0] =	wrdreg $0xFFFFFFFF;
	(pc) =	sbr.abs _section_cstart, $3  }
0xca: {  	[dreg:$0x1] =	wrdreg $0xFFFFFFFF  }
0xcb: {  	_ =	task.clear_ibuf [dreg:s9], $0x2FFFF;
	_ =	strace $0x9FFFFFFF  }
0xcc: {  	(tm) =	ssettm $0x7FFFFFFF  }
0xcd: {  	_ =	shalt  }
tec
execute0_lowered:
.L_overlay_start_1:
0x0: {  	(tag) =	ssettag $0x1  }
0x1: {  	s0 =	rddreg [dreg:$0x0]  }
0x2: {  	s2 =	rddreg [dreg:$0x1]  }
0x3: {  	s6 =	rddreg [dreg:$0x2]  }
0x4: {  	s7 =	rddreg [dreg:$0x3]  }
0x5: {  	s1 =	rddreg [dreg:$0x4]  }
0x6: {  	s3 =	rddreg [dreg:$0x5];
	s4 =	simm.s32 $0x0  }
0x7: {  	s11 =	stileid.u32;
	s8 =	srdreg.scid;
	s28 =	simm.s32 $0x2  }
0x8: {  	s29 =	simm.s32 $0x3;
	[smem:$0x7FF] =	sst s4;
	s10 =	smul.u32 $0x2710, s11  }
0x9: {  	s5 =	sadd.s32 $0x9D800, s0;
	s9 =	sadd.s32 $0x6400, s0;
	s15 =	smul.u32 $0xEA60, s11  }
0xa: {  	s14 =	sand.u32 $0x1, s8;
	s16 =	sadd.s32 $0x6600, s0;
	s17 =	smul.u32 $0x4E20, s11  }
0xb: {  	s22 =	sshll.u32 s11, $0x6;
	_ =	strace $0x80000047;
	[dreg:$0x7] =	wrdreg s9  }
0xc: {  	s19 =	ssub.s32 $0x2, s14;
	s23 =	smul.u32 $0x9C400, s14;
	s9 =	sor.u32 $0x1C04, s22  }
0xd: {  	s24 =	sshllo.u32 s14, $0x1;
	p0 =	sne.s32 s14, $0x0;
	s22 =	simm.s32 $0xD840  }
0xe: {  	s18 =	sshrl.u32 s10, $0x3;
	s20 =	sshrl.u32 s19, $0x1;
	s21 =	sadd.s32 s15, s1  }
0xf: {  	s12 =	sshrl.u32 s17, $0x3;
	s0 =	sadd.s32 s18, s0;
	s19 =	ssub.s32 s19, s20  }
0x10: {  	[dreg:$0x8] =	wrdreg s21;
	s18 =	sshrl.u32 s15, $0x3;
	s11 =	sadd.s32 s17, s23  }
0x11: {  	s20 =	smul.u32 $0x4E200, s24;
	s6 =	sadd.s32 s6, s12;
	s21 =	simm.s32 $0x4E20  }
0x12: {  	s23 =	simm.s32 $0x50;
	s8 =	sadd.s32 s7, s18;
	[dreg:$0x9] =	wrdreg s6  }
0x13: {  	s25 =	sshrl.u32 s11, $0x3;
	s7 =	smul.u32 $0xEA600, s24;
	s11 =	sadd.s32 s10, s3  }
0x14: {  	s26 =	sadd.s32 $0x1400, s0;
	s30 =	sadd.s32 s16, s18;
	s0 =	sadd.s32 $0x7BA00, s0  }
0x15: {  	s19 =	smax.u32 s19, $0x1;
	s24 =	simm.s32 $0x9C40;
	[dreg:$0xa] =	wrdreg s26  }
0x16: {  	s13 =	sadd.s32 s2, s25;
	s31 =	sadd.s32 s17, s20;
	[dreg:$0xb] =	wrdreg s30  }
0x17: {  	s10 =	sadd.s32 $0x3A980, s30;
	[dreg:$0xd] =	wrdreg s0;
	s20 =	simm.s32 $0x4  }
0x18: {  	s25 =	simm.s32 $0xBA40;
	s26 =	simm.s32 $0x1;
	s7 =	sadd.s32 s15, s7  }
0x19: {  	[dreg:$0xc] =	wrdreg s10;
	s6 =	sshrl.u32 s31, $0x3;
	s7 =	sshrl.u32 s7, $0x3  }
0x1a: {  	s17 =	sadd.s32 s2, s6;
	s2 =	simm.s32 $0x0;
	s18 =	sadd.s32 s16, s7  }
.LBB2_1:
0x1b: {  	s0 =	rddreg [dreg:$0x8]  }
0x1c: {  	s15 =	sshrl.u32 s0, $0x3  }
0x1d: {  	[spmem:s15], [sflag:s9] =	dma.local [hbm:s8], $0x1D4C  }
0x1e: {  	_ =	swait.ge [sflag:s20], $0x1D4C  }
0x1f: {  	[sflag:s20] =	ssyncset.done $0x0  }
0x20: {  	s14 =	rddreg [dreg:$0x9];
	[sflag:s20] =	ssyncadd.s32 $0xFFFFE2B4  }
0x21: {  	[tilespmem:s21], [sflag:$0x4] =	stream.linear.gather [hbm4b:s14+s4], $0x4E20, $0x38;
	[tilespmem:$0x1EEB0] =	vst v63  }
0x22: {  	_ =	swait.ge [sflag:s20], $0x4E20  }
0x23: {  	[sflag:s20] =	ssyncset.done $0x0  }
0x24: {  	s16 =	rddreg [dreg:$0x7];
	[sflag:s20] =	ssyncadd.s32 $0xFFFFB1E0  }
0x25: {  	[tilespmem:s22], [sflag:$0x4] =	stream.linear.gather [hbm4b:s16+s4], $0x500, $0x38;
	[tilespmem:$0x1EEB0] =	vst v63  }
0x26: {  	_ =	swait.ge [sflag:s20], $0x500  }
0x27: {  	[sflag:s20] =	ssyncset.done $0x0  }
0x28: {  	s0 =	sshrl.u32 @!p0 s11, $0x3;
	s6 =	rddreg [dreg:$0xa];
	[sflag:s20] =	ssyncadd.s32 $0xFFFFFB00  }
0x29: {  	[spmem:s0], [sflag:s9] =	dma.local @!p0 [hbm:s6], $0x4E2  }
0x2a: {  	s0 =	simm.s32 @!p0 $0x4  }
0x2b: {  	_ =	swait.ge @!p0 [sflag:s0], $0x4E2  }
0x2c: {  	[sflag:s0] =	ssyncset.done @!p0 $0x0  }
0x2d: {  	[sflag:s0] =	ssyncadd.s32 @!p0 $0xFFFFFB1E  }
0x2e: {  	[tilespmem:s4], [sflag:$0x4] =	stream.linear.gather [hbm4b:s13+s4], $0x4E20, $0x38;
	[tilespmem:$0x1EEB0] =	vst v63  }
0x2f: {  	_ =	swait.ge [sflag:s20], $0x4E20  }
0x30: {  	[sflag:s20] =	ssyncset.done $0x0  }
0x31: {  	[sflag:s20] =	ssyncadd.s32 $0xFFFFB1E0  }
0x32: {  	[bflag:$0x0] =	sbarrier.arrive $0xFFFF  }
0x33: {  	[tilespmem:s24], [sflag:$0x1] =	stream.indirect.gather [hbm4b:s5+s23], $0x60, s4, s23, $0xb8;
	[tilespmem:$0x1EEB0] =	vst v63  }
0x34: {  	_ = 	snop  }
0x35: {  	[tilespmem:s25], [sflag:$0x2] =	stream.indirect.gather [hbm4b:s5+s23], $0x60, s23, s23, $0xb8;
	[tilespmem:$0x1EEB0] =	vst v63  }
0x36: {  	_ =	swait.ge [sflag:s26], $0x1E00  }
0x37: {  	[sflag:s26] =	ssyncset.done $0x0  }
0x38: {  	[sflag:s26] =	ssyncadd.s32 $0xFFFFE200  }
0x39: {  	[spmem:s1] =	stream.indirect.scatter.add.f32 [tilespmem:s24], [sflag:$0x4], $0x60, s21, s23, $0xb8;
	[tilespmem:$0x1EEB0] =	vst v63  }
0x3a: {  	_ =	swait.ge [sflag:s20], $0x1E00  }
0x3b: {  	s7 =	simm.s32 @p0 $0xA0;
	[sflag:s20] =	ssyncset.done $0x0  }
0x3c: {  	s10 =	simm.s32 @p0 $0x9C40;
	s6 =	simm.s32 @p0 $0x50;
	[sflag:s20] =	ssyncadd.s32 $0xFFFFE200  }
0x3d: {  	[tilespmem:s10], [sflag:$0x1] =	stream.indirect.gather @p0 [hbm4b:s5+s6], $0x60, s7, s6, $0xb8;
	[tilespmem:$0x1EEB0] =	vst v63  }
0x3e: {  	s7 =	simm.s32 @p0 $0x2  }
0x3f: {  	_ =	swait.ge @p0 [sflag:s7], $0x1E00  }
0x40: {  	[sflag:s7] =	ssyncset.done @p0 $0x0  }
0x41: {  	s10 =	simm.s32 @p0 $0xBA40;
	[sflag:s7] =	ssyncadd.s32 @p0 $0xFFFFE200;
	s7 =	simm.s32 @p0 $0x4E70  }
0x42: {  	[spmem:s1] =	stream.indirect.scatter.add.f32 @p0 [tilespmem:s10], [sflag:$0x4], $0x60, s7, s6, $0xb8;
	[tilespmem:$0x1EEB0] =	vst v63  }
0x43: {  	s6 =	simm.s32 @p0 $0x4  }
0x44: {  	_ =	swait.ge @p0 [sflag:s6], $0x1E00  }
0x45: {  	s30 =	simm.s32 @!p0 $0xD840;
	[sflag:s6] =	ssyncset.done @p0 $0x0  }
0x46: {  	s16 =	simm.s32 @!p0 $0x50;
	[sflag:s6] =	ssyncadd.s32 @p0 $0xFFFFE200;
	s6 =	simm.s32 @!p0 $0x4E20  }
0x47: {  	[spmem:s3] =	stream.indirect.scatter.add.f32 @!p0 [tilespmem:s30], [sflag:$0x3], $0x10, s6, s16, $0xb8;
	[tilespmem:$0x1EEB0] =	vst v63  }
0x48: {  	s7 =	simm.s32 @!p0 $0x9C40;
	s6 =	simm.s32 @!p0 $0xA0  }
0x49: {  	[tilespmem:s7], [sflag:$0x1] =	stream.indirect.gather @!p0 [hbm4b:s5+s16], $0x60, s6, s16, $0xb8;
	[tilespmem:$0x1EEB0] =	vst v63  }
0x4a: {  	s6 =	simm.s32 @!p0 $0x2  }
0x4b: {  	_ =	swait.ge @!p0 [sflag:s6], $0x1E00  }
0x4c: {  	[sflag:s6] =	ssyncset.done @!p0 $0x0  }
0x4d: {  	s7 =	simm.s32 @!p0 $0xBA40;
	[sflag:s6] =	ssyncadd.s32 @!p0 $0xFFFFE200;
	s6 =	simm.s32 @!p0 $0x4E70  }
0x4e: {  	[spmem:s1] =	stream.indirect.scatter.add.f32 @!p0 [tilespmem:s7], [sflag:$0x4], $0x60, s6, s16, $0xb8;
	[tilespmem:$0x1EEB0] =	vst v63  }
0x4f: {  	_ =	swait.ge @!p0 [sflag:s0], $0x1E00  }
0x50: {  	[sflag:s0] =	ssyncset.done @!p0 $0x0  }
0x51: {  	s31 =	simm.s32 @!p0 $0x3;
	[sflag:s0] =	ssyncadd.s32 @!p0 $0xFFFFE200  }
.Ltmp0:
0x52: {  	_ =	swait.ge @!p0 [sflag:s31], $0x500;
	(pc) =	sbr.rel .LBB2_2-.Ltmp0, $4  }
0x53: {  	[sflag:s31] =	ssyncset.done @!p0 $0x0  }
0x54: {  	s14 =	simm.s32 $0x140;
	[sflag:s31] =	ssyncadd.s32 @!p0 $0xFFFFFB00  }
0x55: {  	[spmem:s3] =	stream.indirect.scatter.add.f32 @!p0 [tilespmem:s30], [sflag:$0x3], $0x10, s6, s16, $0xb8;
	[tilespmem:$0x1EEB0] =	vst v63  }
0x56: {  	s7 =	simm.s32 $0x1;
	s0 =	simm.s32 $0x7B;
	s6 =	simm.s32 $0x4EC0  }
.LBB2_5:
0x57: {  	s0 =	sadd.s32 $0xFFFFFFFF, s0;
	s14 =	sadd.s32 $0xA0, s14;
	s6 =	sadd.s32 $0xA0, s6  }
.LBB2_2:
0x58: {  	s10 =	sadd.s32 $0xFFFFFFB0, s14  }
0x59: {  	[tilespmem:s25], [sflag:$0x2] =	stream.indirect.gather [hbm4b:s5+s23], $0x60, s10, s23, $0xb8;
	[tilespmem:$0x1EEB0] =	vst v63  }
0x5a: {  	_ =	swait.ge [sflag:s26], $0x1E00  }
0x5b: {  	[sflag:s26] =	ssyncset.done $0x0  }
0x5c: {  	[sflag:s26] =	ssyncadd.s32 $0xFFFFE200  }
0x5d: {  	[spmem:s1] =	stream.indirect.scatter.add.f32 [tilespmem:s24], [sflag:$0x4], $0x60, s6, s23, $0xb8;
	[tilespmem:$0x1EEB0] =	vst v63  }
0x5e: {  	_ =	swait.ge [sflag:s20], $0x1E00  }
0x5f: {  	[sflag:s20] =	ssyncset.done $0x0  }
0x60: {  	[sflag:s20] =	ssyncadd.s32 $0xFFFFE200  }
0x61: {  	_ =	swait.ge @!p0 [sflag:s31], $0x500  }
0x62: {  	[sflag:s31] =	ssyncset.done @!p0 $0x0  }
0x63: {  	p1 =	seq.s32 s0, $0x0;
	[sflag:s31] =	ssyncadd.s32 @!p0 $0xFFFFFB00  }
0x64: {  	[spmem:s3] =	stream.indirect.scatter.add.f32 @!p0 [tilespmem:s30], [sflag:$0x3], $0x10, s6, s16, $0xb8;
	[tilespmem:$0x1EEB0] =	vst v63  }
0x65: {  	s10 =	simm.s32 @!p1 $0x50;
	s12 =	simm.s32 @!p1 $0x9C40  }
0x66: {  	[tilespmem:s12], [sflag:$0x1] =	stream.indirect.gather @!p1 [hbm4b:s5+s10], $0x60, s14, s10, $0xb8;
	[tilespmem:$0x1EEB0] =	vst v63  }
0x67: {  	_ =	swait.ge [sflag:s28], $0x1E00  }
0x68: {  	[sflag:s28] =	ssyncset.done $0x0  }
.Ltmp1:
0x69: {  	s10 =	sadd.s32 $0x50, s6;
	[sflag:s28] =	ssyncadd.s32 $0xFFFFE200;
	(pc) =	sbr.rel @p0 .LBB2_6-.Ltmp1, $4  }
0x6a: {  	[spmem:s1] =	stream.indirect.scatter.add.f32 [tilespmem:s25], [sflag:$0x4], $0x60, s10, s23, $0xb8;
	[tilespmem:$0x1EEB0] =	vst v63  }
0x6b: {  	_ =	swait.ge [sflag:s20], $0x1E00  }
0x6c: {  	[sflag:s20] =	ssyncset.done $0x0  }
0x6d: {  	[sflag:s20] =	ssyncadd.s32 $0xFFFFE200  }
.Ltmp2:
0x6e: {  	(pc) =	sbr.rel @p1 .LBB2_8-.Ltmp2, $4  }
0x6f: {  	_ =	swait.ge [sflag:s29], $0x500  }
0x70: {  	[sflag:s29] =	ssyncset.done $0x0  }
0x71: {  	[sflag:s29] =	ssyncadd.s32 $0xFFFFFB00  }
0x72: {  	[spmem:s3] =	stream.indirect.scatter.add.f32 [tilespmem:s22], [sflag:$0x3], $0x10, s10, s23, $0xb8;
	[tilespmem:$0x1EEB0] =	vst v63  }
.Ltmp3:
0x73: {  	(pc) =	sbr.rel .LBB2_5-.Ltmp3, $2  }
0x74: {  	_ =	sdelay $0x2  }
0x75: {  	s7 =	sadd.s32 $0x1, s7  }
.LBB2_6:
.Ltmp4:
0x76: {  	(pc) =	sbr.rel @p1 .LBB2_9-.Ltmp4, $1  }
0x77: {  	_ =	sdelay $0x3  }
.Ltmp5:
0x78: {  	(pc) =	sbr.rel .LBB2_5-.Ltmp5, $2  }
0x79: {  	_ =	sdelay $0x2  }
0x7a: {  	s7 =	sadd.s32 $0x1, s7  }
.LBB2_8:
0x7b: {  	_ =	swait.ge [sflag:s29], $0x500  }
0x7c: {  	[sflag:s29] =	ssyncset.done $0x0  }
0x7d: {  	[sflag:s29] =	ssyncadd.s32 $0xFFFFFB00  }
0x7e: {  	[bflag:$0x0] =	sbarrier.arrive $0xFFFF  }
0x7f: {  	s0 =	rddreg [dreg:$0xb]  }
0x80: {  	[hbm:s0], [sflag:s9] =	dma.local [spmem:s15], $0x1D4C  }
0x81: {  	_ =	swait.ge [sflag:s20], $0x1D4C  }
0x82: {  	s31 =	sshrl.u32 s11, $0x3;
	[sflag:s20] =	ssyncset.done $0x0  }
.Ltmp6:
0x83: {  	s6 =	rddreg [dreg:$0xd];
	[sflag:s20] =	ssyncadd.s32 $0xFFFFE2B4;
	(pc) =	sbr.rel .LBB2_10-.Ltmp6, $4  }
0x84: {  	[hbm:s6], [sflag:s9] =	dma.local [spmem:s31], $0x4E2  }
0x85: {  	_ =	swait.ge [sflag:s20], $0x4E2  }
0x86: {  	[sflag:s20] =	ssyncset.done $0x0  }
0x87: {  	[sflag:s20] =	ssyncadd.s32 $0xFFFFFB1E  }
.LBB2_9:
0x88: {  	[bflag:$0x0] =	sbarrier.arrive $0xFFFF  }
0x89: {  	s0 =	rddreg [dreg:$0xc]  }
0x8a: {  	[hbm:s0], [sflag:s9] =	dma.local [spmem:s15], $0x1D4C  }
0x8b: {  	_ =	swait.ge [sflag:s20], $0x1D4C  }
0x8c: {  	[sflag:s20] =	ssyncset.done $0x0  }
0x8d: {  	[sflag:s20] =	ssyncadd.s32 $0xFFFFE2B4  }
.LBB2_10:
0x8e: {  	[bflag:$0x0] =	sbarrier.arrive $0xFFFF  }
0x8f: {  	[spmem:s15], [sflag:s9] =	dma.local [hbm:s8], $0x1D4C  }
0x90: {  	_ =	swait.ge [sflag:s20], $0x1D4C  }
0x91: {  	[sflag:s20] =	ssyncset.done $0x0  }
0x92: {  	s0 =	simm.s32 $0x0;
	[sflag:s20] =	ssyncadd.s32 $0xFFFFE2B4  }
0x93: {  	[tilespmem:s0], [sflag:$0x4] =	stream.linear.gather [hbm4b:s17+s0], $0x4E20, $0x38;
	[tilespmem:$0x1EEB0] =	vst v63  }
0x94: {  	_ =	swait.ge [sflag:s20], $0x4E20  }
0x95: {  	[sflag:s20] =	ssyncset.done $0x0  }
0x96: {  	[sflag:s20] =	ssyncadd.s32 $0xFFFFB1E0  }
0x97: {  	[bflag:$0x0] =	sbarrier.arrive $0xFFFF  }
0x98: {  	[tilespmem:s24], [sflag:$0x1] =	stream.indirect.gather [hbm4b:s5+s23], $0x60, s0, s23, $0xb8;
	[tilespmem:$0x1EEB0] =	vst v63  }
0x99: {  	s14 =	simm.s32 $0x50  }
0x9a: {  	[tilespmem:s25], [sflag:$0x2] =	stream.indirect.gather [hbm4b:s5+s23], $0x60, s14, s23, $0xb8;
	[tilespmem:$0x1EEB0] =	vst v63  }
0x9b: {  	_ =	swait.ge [sflag:s26], $0x1E00  }
0x9c: {  	[sflag:s26] =	ssyncset.done $0x0  }
0x9d: {  	s16 =	simm.s32 $0x4E20;
	[sflag:s26] =	ssyncadd.s32 $0xFFFFE200  }
0x9e: {  	[spmem:s1] =	stream.indirect.scatter.add.f32 [tilespmem:s24], [sflag:$0x4], $0x60, s16, s23, $0xb8;
	[tilespmem:$0x1EEB0] =	vst v63  }
0x9f: {  	_ =	swait.ge [sflag:s20], $0x1E00  }
0xa0: {  	[sflag:s20] =	ssyncset.done $0x0  }
0xa1: {  	s30 =	simm.s32 $0xA0;
	[sflag:s20] =	ssyncadd.s32 $0xFFFFE200  }
0xa2: {  	[tilespmem:s24], [sflag:$0x1] =	stream.indirect.gather [hbm4b:s5+s23], $0x60, s30, s23, $0xb8;
	[tilespmem:$0x1EEB0] =	vst v63  }
0xa3: {  	_ =	swait.ge [sflag:s28], $0x1E00  }
0xa4: {  	[sflag:s28] =	ssyncset.done $0x0  }
0xa5: {  	s31 =	simm.s32 $0x4E70;
	[sflag:s28] =	ssyncadd.s32 $0xFFFFE200  }
0xa6: {  	[spmem:s1] =	stream.indirect.scatter.add.f32 [tilespmem:s25], [sflag:$0x4], $0x60, s31, s23, $0xb8;
	[tilespmem:$0x1EEB0] =	vst v63  }
0xa7: {  	_ =	swait.ge [sflag:s20], $0x1E00  }
0xa8: {  	s0 =	simm.s32 $0x500;
	s16 =	simm.s32 $0xA0;
	[sflag:s20] =	ssyncset.done $0x0  }
.LBB2_11:
0xa9: {  	s6 =	sadd.s32 $0x50, s16  }
0xaa: {  	[sflag:s20] =	ssyncadd.s32 $0xFFFFE200;
	s7 =	smov.u32 s0;
	s10 =	sadd.s32 $0x280, s0  }
0xab: {  	[tilespmem:s25], [sflag:$0x2] =	stream.indirect.gather [hbm4b:s5+s23], $0x60, s6, s23, $0xb8;
	[tilespmem:$0x1EEB0] =	vst v63  }
0xac: {  	p1 =	sne.s32 s0, $0x13380;
	_ =	swait.ge [sflag:s26], $0x1E00  }
0xad: {  	[sflag:s26] =	ssyncset.done $0x0  }
0xae: {  	s0 =	sadd.s32 $0x4E20, s16;
	[sflag:s26] =	ssyncadd.s32 $0xFFFFE200  }
0xaf: {  	[spmem:s1] =	stream.indirect.scatter.add.f32 [tilespmem:s24], [sflag:$0x4], $0x60, s0, s23, $0xb8;
	[tilespmem:$0x1EEB0] =	vst v63  }
0xb0: {  	_ =	swait.ge [sflag:s20], $0x1E00  }
0xb1: {  	[sflag:s20] =	ssyncset.done $0x0  }
0xb2: {  	s0 =	sadd.s32 $0xA0, s16;
	[sflag:s20] =	ssyncadd.s32 $0xFFFFE200  }
0xb3: {  	[tilespmem:s24], [sflag:$0x1] =	stream.indirect.gather [hbm4b:s5+s23], $0x60, s0, s23, $0xb8;
	[tilespmem:$0x1EEB0] =	vst v63  }
0xb4: {  	_ =	swait.ge [sflag:s28], $0x1E00  }
.Ltmp7:
0xb5: {  	[sflag:s28] =	ssyncset.done $0x0;
	(pc) =	sbr.rel @p1 .LBB2_11-.Ltmp7, $4  }
0xb6: {  	s0 =	sadd.s32 $0x4E70, s16;
	[sflag:s28] =	ssyncadd.s32 $0xFFFFE200  }
0xb7: {  	[spmem:s1] =	stream.indirect.scatter.add.f32 [tilespmem:s25], [sflag:$0x4], $0x60, s0, s23, $0xb8;
	[tilespmem:$0x1EEB0] =	vst v63  }
0xb8: {  	_ =	swait.ge [sflag:s20], $0x1E00  }
0xb9: {  	s16 =	sshra.s32 s7, $0x2;
	s0 =	smov.u32 s10;
	[sflag:s20] =	ssyncset.done $0x0  }
0xba: {  	s0 =	sadd.s32 $0x50, s16;
	[sflag:s20] =	ssyncadd.s32 $0xFFFFE200  }
0xbb: {  	[tilespmem:s25], [sflag:$0x2] =	stream.indirect.gather [hbm4b:s5+s23], $0x60, s0, s23, $0xb8;
	[tilespmem:$0x1EEB0] =	vst v63  }
0xbc: {  	_ =	swait.ge [sflag:s26], $0x1E00  }
0xbd: {  	[sflag:s26] =	ssyncset.done $0x0  }
0xbe: {  	s10 =	sadd.s32 $0x4E20, s16;
	[sflag:s26] =	ssyncadd.s32 $0xFFFFE200  }
0xbf: {  	[spmem:s1] =	stream.indirect.scatter.add.f32 [tilespmem:s24], [sflag:$0x4], $0x60, s10, s23, $0xb8;
	[tilespmem:$0x1EEB0] =	vst v63  }
0xc0: {  	_ =	swait.ge [sflag:s20], $0x1E00  }
0xc1: {  	[sflag:s20] =	ssyncset.done $0x0  }
0xc2: {  	s12 =	sadd.s32 $0xA0, s16;
	[sflag:s20] =	ssyncadd.s32 $0xFFFFE200  }
0xc3: {  	[tilespmem:s24], [sflag:$0x1] =	stream.indirect.gather [hbm4b:s5+s23], $0x60, s12, s23, $0xb8;
	[tilespmem:$0x1EEB0] =	vst v63  }
0xc4: {  	_ =	swait.ge [sflag:s28], $0x1E00  }
0xc5: {  	[sflag:s28] =	ssyncset.done $0x0  }
0xc6: {  	s14 =	sadd.s32 $0x4E70, s16;
	[sflag:s28] =	ssyncadd.s32 $0xFFFFE200  }
0xc7: {  	[spmem:s1] =	stream.indirect.scatter.add.f32 [tilespmem:s25], [sflag:$0x4], $0x60, s14, s23, $0xb8;
	[tilespmem:$0x1EEB0] =	vst v63  }
0xc8: {  	_ =	swait.ge [sflag:s20], $0x1E00  }
0xc9: {  	[sflag:s20] =	ssyncset.done $0x0  }
0xca: {  	s16 =	simm.s32 $0x4DD0;
	[sflag:s20] =	ssyncadd.s32 $0xFFFFE200  }
0xcb: {  	[tilespmem:s25], [sflag:$0x2] =	stream.indirect.gather [hbm4b:s5+s23], $0x60, s16, s23, $0xb8;
	[tilespmem:$0x1EEB0] =	vst v63  }
0xcc: {  	_ =	swait.ge [sflag:s26], $0x1E00  }
0xcd: {  	[sflag:s26] =	ssyncset.done $0x0  }
0xce: {  	s30 =	simm.s32 $0x9BA0;
	[sflag:s26] =	ssyncadd.s32 $0xFFFFE200  }
0xcf: {  	[spmem:s1] =	stream.indirect.scatter.add.f32 [tilespmem:s24], [sflag:$0x4], $0x60, s30, s23, $0xb8;
	[tilespmem:$0x1EEB0] =	vst v63  }
0xd0: {  	_ =	swait.ge [sflag:s20], $0x1E00  }
0xd1: {  	[sflag:s20] =	ssyncset.done $0x0  }
0xd2: {  	[sflag:s20] =	ssyncadd.s32 $0xFFFFE200  }
0xd3: {  	_ =	swait.ge [sflag:s28], $0x1E00  }
0xd4: {  	[sflag:s28] =	ssyncset.done $0x0  }
0xd5: {  	s31 =	simm.s32 $0x9BF0;
	[sflag:s28] =	ssyncadd.s32 $0xFFFFE200  }
0xd6: {  	[spmem:s1] =	stream.indirect.scatter.add.f32 [tilespmem:s25], [sflag:$0x4], $0x60, s31, s23, $0xb8;
	[tilespmem:$0x1EEB0] =	vst v63  }
0xd7: {  	_ =	swait.ge [sflag:s20], $0x1E00  }
0xd8: {  	[sflag:s20] =	ssyncset.done $0x0  }
0xd9: {  	s2 =	sadd.s32 $0x1, s2;
	[sflag:s20] =	ssyncadd.s32 $0xFFFFE200  }
0xda: {  	p1 =	sne.s32 s2, s19;
	[bflag:$0x0] =	sbarrier.arrive $0xFFFF  }
0xdb: {  	[hbm:s18], [sflag:s9] =	dma.local [spmem:s15], $0x1D4C  }
.Ltmp8:
0xdc: {  	_ =	swait.ge [sflag:s20], $0x1D4C;
	(pc) =	sbr.rel @p1 .LBB2_1-.Ltmp8, $3  }
0xdd: {  	[sflag:s20] =	ssyncset.done $0x0  }
0xde: {  	[sflag:s20] =	ssyncadd.s32 $0xFFFFE2B4  }
0xdf: {  	[bflag:$0x0] =	sbarrier.arrive $0xFFFF;
	_ =	sdelay $0x1  }
0xe0: {  	_ =	sfence.sel $0x180000  }
0xe1: {  	[bflag:$0x0] =	sbarrier.arrive $0xFFFF  }
0xe2: {  	_ =	strace $0x90000047  }
0xe3: {  	s0 =	stileid.u32;
	[bflag:$0x2] =	sbarrier.arrive $0xFFFF  }
0xe4: {  	p0 =	sne.s32 s0, $0x0;
	s0 =	rddreg [dreg:$0x6]  }
0xe5: {  	s0 =	sadd.s32 @!p0 $0x100000, s0  }
0xe6: {  	[sflag:s0] =	ssyncadd.tile.s32 @!p0 $0x1;
	_ =	shalt  }
.Lfunc_end2:
_tile_overlayer_lowered:
.L_overlay_start_2:
0xe7: {  	(tag) =	ssettag $0x2  }
0xe8: {  	s0 =	rddreg [dreg:$0x0];
	s2 =	stileid.u32  }
0xe9: {  	s1 =	rddreg [dreg:$0x1];
	p0 =	sne.s32 s2, $0x0  }
0xea: {  	s3 =	rddreg [dreg:$0x2];
	[bflag:$0x3] =	sbarrier.arrive $0xFFFF;
	s2 =	simm.s32 @!p0 $0x1C04  }
0xeb: {  	[timem:s3], [sflag:s2] =	dma.local @!p0 [hbm:s0], s1  }
0xec: {  	s0 =	simm.s32 @!p0 $0x4  }
0xed: {  	_ =	swait.ge @!p0 [sflag:s0], s1  }
0xee: {  	s1 =	ssub.s32 @!p0 $0x0, s1;
	[sflag:s0] =	ssyncset.done @!p0 $0x0  }
0xef: {  	[sflag:s0] =	ssyncadd.s32 @!p0 s1  }
0xf0: {  	[bflag:$0x3] =	sbarrier.arrive $0xFFFF  }
0xf1: {  	_ =	shalt  }

</sc_bundles>
